<compile_context>
chip_gen: v7x
topology: tpu7x:2x2x1
jax: 0.10.2.dev20260603
libtpu: 0.0.44.dev20260713+nightly
codegen_flags: <defaults>
</compile_context>

<pallas_src>
import functools

import jax
import jax.numpy as jnp
from jax import lax
from jax.experimental import pallas as pl
from jax.experimental.pallas import tpu as pltpu
from jax.experimental.pallas import tpu_sc as plsc

_N = 50000
_E = 1600000
_VDD = 1.8
_ITERS = 300
_NW = 32
_R = 1568
_NPAD = _NW * _R
_ECAP = 51968
_DCAP = 510
_METAW = 528


def _preprocess(x, edge_w, current_vector, src, dst, can_index):
    src = src.astype(jnp.int32)
    dst = dst.astype(jnp.int32)
    ones = jnp.ones((_E,), jnp.int32)
    cnt = jax.ops.segment_sum(ones, src, num_segments=_N)
    degw = jax.ops.segment_sum(edge_w, src, num_segments=_N)
    g = jnp.zeros((_N,), x.dtype).at[can_index].set(x)
    d = degw + g
    j = -current_vector + _VDD * g
    inv_d = 1.0 / d
    jd = j * inv_d

    cnt_p = jnp.concatenate([cnt, jnp.zeros((_NPAD - _N,), jnp.int32)])
    order = jnp.argsort(-cnt_p)
    q = jnp.arange(_NPAD, dtype=jnp.int32)
    new_of_q = (q % _NW) * _R + q // _NW
    rank = jnp.zeros((_NPAD,), jnp.int32).at[order].set(new_of_q)
    iperm = jnp.zeros((_NPAD,), jnp.int32).at[new_of_q].set(order)

    cnt_new = cnt_p[iperm]
    jdp = jnp.concatenate([jd, jnp.zeros((_NPAD - _N,), jnp.float32)])[iperm]

    src2 = rank[src]
    dst2 = rank[dst]
    wp = edge_w * inv_d[src]

    eord = jnp.argsort(src2)
    s_src = src2[eord]
    row_start = jnp.concatenate(
        [jnp.zeros((1,), jnp.int32), jnp.cumsum(cnt_new, dtype=jnp.int32)])
    t_sorted = jnp.arange(_E, dtype=jnp.int32) - row_start[s_src]
    t = jnp.zeros((_E,), jnp.int32).at[eord].set(t_sorted)

    cw = cnt_new.reshape(_NW, _R)
    ks = jnp.arange(_DCAP, dtype=jnp.int32)
    nk = jnp.sum(cw[:, :, None] > ks[None, None, :], axis=1, dtype=jnp.int32)
    nk_pad = ((nk + 31) // 32) * 32
    colstart = jnp.concatenate(
        [jnp.zeros((_NW, 1), jnp.int32), jnp.cumsum(nk_pad, axis=1, dtype=jnp.int32)],
        axis=1)
    ncols = jnp.minimum(cw[:, 0], _DCAP)
    meta = jnp.zeros((_NW, _METAW), jnp.int32)
    meta = meta.at[:, 0].set(ncols)
    meta = meta.at[:, 1:1 + _DCAP].set(nk_pad // 32)

    wrk = src2 // _R
    i_loc = src2 % _R
    t_c = jnp.minimum(t, _DCAP - 1)
    pos = colstart[wrk, t_c] + i_loc
    valid = (t < _DCAP) & (pos < _ECAP)
    oob = jnp.int32(2**30)
    gslot = jnp.where(valid, wrk * _ECAP + pos, oob)
    wflat = jnp.zeros((_NW * _ECAP,), jnp.float32).at[gslot].set(wp, mode="drop")

    r32 = pos % 32
    slot16 = (pos - r32) + 2 * (r32 % 16) + (r32 // 16)
    gslot16 = jnp.where(valid, wrk * _ECAP + slot16, oob)
    word = lax.shift_right_logical(gslot16, 1)
    sh = (gslot16 & 1) * 16
    dwords = jnp.zeros((_NW * _ECAP // 2,), jnp.int32).at[word].add(
        lax.shift_left(dst2, sh), mode="drop")
    return (dwords.reshape(_NW, _ECAP // 2), wflat.reshape(_NW, _ECAP),
            jdp, meta, rank)


def _sc_step(dwords, wflat, jdp, meta, v):
    mesh = plsc.VectorSubcoreMesh(core_axis_name="c", subcore_axis_name="s")

    @functools.partial(
        pl.kernel,
        out_type=jax.ShapeDtypeStruct((_NPAD,), jnp.float32),
        mesh=mesh,
        scratch_types=[
            pltpu.VMEM((_NPAD,), jnp.float32),
            pltpu.VMEM((_ECAP,), jnp.float32),
            pltpu.VMEM((_ECAP // 2,), jnp.int32),
            pltpu.VMEM((_R,), jnp.float32),
            pltpu.VMEM((_METAW,), jnp.int32),
        ],
        compiler_params=pltpu.CompilerParams(needs_layout_passes=False),
    )
    def step(dw_h, w_h, jd_h, mt_h, v_h, out_h, v_l, w_l, d_l, acc, mt_l):
        wid = lax.axis_index("s") * 2 + lax.axis_index("c")
        pltpu.sync_copy(v_h, v_l)
        pltpu.sync_copy(w_h.at[wid], w_l)
        pltpu.sync_copy(dw_h.at[wid], d_l)
        pltpu.sync_copy(mt_h.at[wid], mt_l)
        pltpu.sync_copy(jd_h.at[pl.ds(wid * _R, _R)], acc)
        ncols = mt_l[pl.ds(0, 16)][0]

        def col_body(k, colstart):
            nch = mt_l[pl.ds(1 + k, 16)][0]

            def ch_body(m, carry):
                base = colstart + m * 32
                dw = d_l[pl.ds(lax.shift_right_logical(base, 1), 16)]
                ilo = jnp.bitwise_and(dw, 0xFFFF)
                ihi = lax.shift_right_logical(dw, 16)
                va = plsc.load_gather(v_l, [ilo])
                vb = plsc.load_gather(v_l, [ihi])
                wa = w_l[pl.ds(base, 16)]
                wb = w_l[pl.ds(base + 16, 16)]
                ar = m * 32
                plsc.addupdate(acc.at[pl.ds(ar, 16)], wa * va)
                plsc.addupdate(acc.at[pl.ds(ar + 16, 16)], wb * vb)
                return carry

            lax.fori_loop(0, nch, ch_body, 0)
            return colstart + nch * 32

        lax.fori_loop(0, ncols, col_body, jnp.int32(0))
        pltpu.sync_copy(acc, out_h.at[pl.ds(wid * _R, _R)])

    return step(dwords, wflat, jdp, meta, v)


def kernel(x, edge_w, current_vector, src, dst, can_index, obs_index):
    dwords, wflat, jdp, meta, rank = _preprocess(
        x, edge_w, current_vector, src, dst, can_index)

    def body(v, _):
        return _sc_step(dwords, wflat, jdp, meta, v), None

    v0 = jnp.zeros((_NPAD,), jnp.float32)
    vf, _ = lax.scan(body, v0, None, length=_ITERS)
    return vf[rank[obs_index.astype(jnp.int32)]]

# --- scband reference (transcript-rebuilt; emitter-appended) ---
"""Pipeline reference for scband-op-solve-71004399338137 (READ-ONLY COPY).

The authoritative reference and input builder live on the scoring server;
editing this copy changes nothing except your own understanding.
"""

import jax, jax.numpy as jnp
import numpy as np

N_NODES = 50000
N_EDGES = 1600000
N_CAN = 512
N_OBS = 256
VDD = 1.8
N_ITERS = 300


def setup_inputs(seed: int = 0) -> dict:
    key = jax.random.key(seed)
    k1, k2, k3, k4, k5, k6, k7 = jax.random.split(key, 7)
    # conductance of each candidate connection to the voltage source (positive)
    x = jax.random.uniform(k1, (N_CAN,), minval=0.5, maxval=10.0, dtype=jnp.float32)
    # sparse adjacency matrix A in COO edge-list form (row, col, weight).
    # guarantee every row has at least one entry so row sums (degrees) are > 0
    src = jnp.concatenate([
        jnp.arange(N_NODES, dtype=jnp.int32),
        jax.random.randint(k2, (N_EDGES - N_NODES,), 0, N_NODES, dtype=jnp.int32),
    ])
    dst = jax.random.randint(k3, (N_EDGES,), 0, N_NODES, dtype=jnp.int32)
    edge_w = jax.random.uniform(k4, (N_EDGES,), minval=0.1, maxval=1.0, dtype=jnp.float32)
    # load current of each circuit node (small)
    current_vector = jax.random.normal(k5, (N_NODES,), dtype=jnp.float32) * 0.01
    can_index = jax.random.randint(k6, (N_CAN,), 0, N_NODES, dtype=jnp.int32)
    obs_index = jax.random.randint(k7, (N_OBS,), 0, N_NODES, dtype=jnp.int32)
    return {
        "x": x,
        "edge_w": edge_w,
        "current_vector": current_vector,
        "src": src,
        "dst": dst,
        "can_index": can_index,
        "obs_index": obs_index,
    }


def reference(x, edge_w, current_vector, src, dst, can_index, obs_index):
    """Iterative (Jacobi) .op solve: (D - A + diag(g)) V = J + vdd*g, return V[obs].

    Faithful to OpSolveIterativeFunction.forward: g scattered (overwrite) into a
    dense vector at can_index, d = row_sum(A) + g, j = J + vdd*g, then Jacobi
    iteration V <- (A V + j) / d. The original loops until ||V - V2||_1 < 1e-3;
    here a fixed iteration count (converged well past that tolerance for this
    diagonally dominant system) is used so the computation is jit/scan friendly.
    """
    n = current_vector.shape[0]
    J = -current_vector  # module __init__: self._J = -current_vector
    # g.scatter_(0, can_index, x) -> overwrite semantics
    g = jnp.zeros((n,), dtype=x.dtype).at[can_index].set(x)
    # torch.sparse.sum(A, 1) -> row sums of adjacency
    deg = jax.ops.segment_sum(edge_w, src, num_segments=n)
    d = deg + g
    j = J + VDD * g

    V0 = jnp.zeros((n,), dtype=x.dtype)

    def step(V, _):
        # spmm(A, V): (A V)[r] = sum over edges with row r of w * V[col]
        Av = jax.ops.segment_sum(edge_w * V[dst], src, num_segments=n)
        V2 = (Av + j) / d
        return V2, None

    V, _ = jax.lax.scan(step, V0, None, length=N_ITERS)
    return V[obs_index]

if __name__ == "__main__":
    import jax
    _d = setup_inputs()
    print(jax.jit(kernel)(*tuple(_d.values())))

</pallas_src>

<mosaic_0001>
#map = affine_map<(d0, d1) -> (0, 0)>
#map1 = affine_map<(d0, d1) -> (0)>
module attributes {stable_mosaic.version = 14 : i64} {
  func.func @step(%arg0: i32, %arg1: i32, %arg2: memref<32x25984xi32, #tpu.memory_space<hbm>>, %arg3: memref<32x51968xf32, #tpu.memory_space<hbm>>, %arg4: memref<50176xf32, #tpu.memory_space<hbm>>, %arg5: memref<32x528xi32, #tpu.memory_space<hbm>>, %arg6: memref<50176xf32, #tpu.memory_space<hbm>>, %arg7: memref<50176xf32, #tpu.memory_space<hbm>>, %arg8: memref<50176xf32, #tpu.memory_space<vmem>>, %arg9: memref<51968xf32, #tpu.memory_space<vmem>>, %arg10: memref<25984xi32, #tpu.memory_space<vmem>>, %arg11: memref<1568xf32, #tpu.memory_space<vmem>>, %arg12: memref<528xi32, #tpu.memory_space<vmem>>) attributes {dimension_semantics = [#tpu.dimension_semantics<core_parallel>, #tpu.dimension_semantics<subcore_parallel>], iteration_bounds = array<i64: 2, 16>, scalar_prefetch = 0 : i64, scratch_operands = 5 : i64, tpu.core_type = #tpu.core_type<sc_vector_subcore>, window_params = [{transform_indices = #map}, {transform_indices = #map}, {transform_indices = #map1}, {transform_indices = #map}, {transform_indices = #map1}, {transform_indices = #map1}]} {
    %mul3A = arith.constant 2 : i32
    %mul3A_0 = arith.muli %arg1, %mul3A : i32
    %add3A = arith.addi %mul3A_0, %arg0 : i32
    "tpu.region"() ({
      %run_scoped3A = tpu.sem_alloc : memref<!tpu.dma_semaphore, #tpu.memory_space<semaphore_mem>>
      tpu.enqueue_dma source(%arg6 : memref<50176xf32, #tpu.memory_space<hbm>>) target(%arg8 : memref<50176xf32, #tpu.memory_space<vmem>>) target_semaphore(%run_scoped3A : memref<!tpu.dma_semaphore, #tpu.memory_space<semaphore_mem>>)
      tpu.wait_dma2 semaphore(%run_scoped3A : memref<!tpu.dma_semaphore, #tpu.memory_space<semaphore_mem>>) src(%arg6 : memref<50176xf32, #tpu.memory_space<hbm>>) dst(%arg8 : memref<50176xf32, #tpu.memory_space<vmem>>)
      tpu.yield
    }) : () -> ()
    "tpu.region"() ({
      %run_scoped3A = tpu.sem_alloc : memref<!tpu.dma_semaphore, #tpu.memory_space<semaphore_mem>>
      %dma_start3A = arith.constant 0 : i32
      %dma_start3A_17 = tpu.memref_slice %arg3[%add3A, %dma_start3A] : memref<32x51968xf32, #tpu.memory_space<hbm>> -> memref<1x51968xf32, #tpu.memory_space<hbm>>
      %dma_start3A_18 = tpu.memref_squeeze %dma_start3A_17 : memref<1x51968xf32, #tpu.memory_space<hbm>> -> memref<51968xf32, #tpu.memory_space<hbm>>
      %dma_start3A_19 = arith.constant 0 : i32
      %dma_start3A_20 = tpu.memref_slice %arg3[%add3A, %dma_start3A_19] : memref<32x51968xf32, #tpu.memory_space<hbm>> -> memref<1x51968xf32, #tpu.memory_space<hbm>>
      %dma_start3A_21 = tpu.memref_squeeze %dma_start3A_20 : memref<1x51968xf32, #tpu.memory_space<hbm>> -> memref<51968xf32, #tpu.memory_space<hbm>>
      tpu.enqueue_dma source(%dma_start3A_21 : memref<51968xf32, #tpu.memory_space<hbm>>) target(%arg9 : memref<51968xf32, #tpu.memory_space<vmem>>) target_semaphore(%run_scoped3A : memref<!tpu.dma_semaphore, #tpu.memory_space<semaphore_mem>>)
      %dma_wait3A = arith.constant 0 : i32
      %dma_wait3A_22 = tpu.memref_slice %arg3[%add3A, %dma_wait3A] : memref<32x51968xf32, #tpu.memory_space<hbm>> -> memref<1x51968xf32, #tpu.memory_space<hbm>>
      %dma_wait3A_23 = tpu.memref_squeeze %dma_wait3A_22 : memref<1x51968xf32, #tpu.memory_space<hbm>> -> memref<51968xf32, #tpu.memory_space<hbm>>
      %dma_wait3A_24 = arith.constant 0 : i32
      %dma_wait3A_25 = tpu.memref_slice %arg3[%add3A, %dma_wait3A_24] : memref<32x51968xf32, #tpu.memory_space<hbm>> -> memref<1x51968xf32, #tpu.memory_space<hbm>>
      %dma_wait3A_26 = tpu.memref_squeeze %dma_wait3A_25 : memref<1x51968xf32, #tpu.memory_space<hbm>> -> memref<51968xf32, #tpu.memory_space<hbm>>
      tpu.wait_dma2 semaphore(%run_scoped3A : memref<!tpu.dma_semaphore, #tpu.memory_space<semaphore_mem>>) src(%dma_wait3A_26 : memref<51968xf32, #tpu.memory_space<hbm>>) dst(%arg9 : memref<51968xf32, #tpu.memory_space<vmem>>)
      tpu.yield
    }) : () -> ()
    "tpu.region"() ({
      %run_scoped3A = tpu.sem_alloc : memref<!tpu.dma_semaphore, #tpu.memory_space<semaphore_mem>>
      %dma_start3A = arith.constant 0 : i32
      %dma_start3A_17 = tpu.memref_slice %arg2[%add3A, %dma_start3A] : memref<32x25984xi32, #tpu.memory_space<hbm>> -> memref<1x25984xi32, #tpu.memory_space<hbm>>
      %dma_start3A_18 = tpu.memref_squeeze %dma_start3A_17 : memref<1x25984xi32, #tpu.memory_space<hbm>> -> memref<25984xi32, #tpu.memory_space<hbm>>
      %dma_start3A_19 = arith.constant 0 : i32
      %dma_start3A_20 = tpu.memref_slice %arg2[%add3A, %dma_start3A_19] : memref<32x25984xi32, #tpu.memory_space<hbm>> -> memref<1x25984xi32, #tpu.memory_space<hbm>>
      %dma_start3A_21 = tpu.memref_squeeze %dma_start3A_20 : memref<1x25984xi32, #tpu.memory_space<hbm>> -> memref<25984xi32, #tpu.memory_space<hbm>>
      tpu.enqueue_dma source(%dma_start3A_21 : memref<25984xi32, #tpu.memory_space<hbm>>) target(%arg10 : memref<25984xi32, #tpu.memory_space<vmem>>) target_semaphore(%run_scoped3A : memref<!tpu.dma_semaphore, #tpu.memory_space<semaphore_mem>>)
      %dma_wait3A = arith.constant 0 : i32
      %dma_wait3A_22 = tpu.memref_slice %arg2[%add3A, %dma_wait3A] : memref<32x25984xi32, #tpu.memory_space<hbm>> -> memref<1x25984xi32, #tpu.memory_space<hbm>>
      %dma_wait3A_23 = tpu.memref_squeeze %dma_wait3A_22 : memref<1x25984xi32, #tpu.memory_space<hbm>> -> memref<25984xi32, #tpu.memory_space<hbm>>
      %dma_wait3A_24 = arith.constant 0 : i32
      %dma_wait3A_25 = tpu.memref_slice %arg2[%add3A, %dma_wait3A_24] : memref<32x25984xi32, #tpu.memory_space<hbm>> -> memref<1x25984xi32, #tpu.memory_space<hbm>>
      %dma_wait3A_26 = tpu.memref_squeeze %dma_wait3A_25 : memref<1x25984xi32, #tpu.memory_space<hbm>> -> memref<25984xi32, #tpu.memory_space<hbm>>
      tpu.wait_dma2 semaphore(%run_scoped3A : memref<!tpu.dma_semaphore, #tpu.memory_space<semaphore_mem>>) src(%dma_wait3A_26 : memref<25984xi32, #tpu.memory_space<hbm>>) dst(%arg10 : memref<25984xi32, #tpu.memory_space<vmem>>)
      tpu.yield
    }) : () -> ()
    "tpu.region"() ({
      %run_scoped3A = tpu.sem_alloc : memref<!tpu.dma_semaphore, #tpu.memory_space<semaphore_mem>>
      %dma_start3A = arith.constant 0 : i32
      %dma_start3A_17 = tpu.memref_slice %arg5[%add3A, %dma_start3A] : memref<32x528xi32, #tpu.memory_space<hbm>> -> memref<1x528xi32, #tpu.memory_space<hbm>>
      %dma_start3A_18 = tpu.memref_squeeze %dma_start3A_17 : memref<1x528xi32, #tpu.memory_space<hbm>> -> memref<528xi32, #tpu.memory_space<hbm>>
      %dma_start3A_19 = arith.constant 0 : i32
      %dma_start3A_20 = tpu.memref_slice %arg5[%add3A, %dma_start3A_19] : memref<32x528xi32, #tpu.memory_space<hbm>> -> memref<1x528xi32, #tpu.memory_space<hbm>>
      %dma_start3A_21 = tpu.memref_squeeze %dma_start3A_20 : memref<1x528xi32, #tpu.memory_space<hbm>> -> memref<528xi32, #tpu.memory_space<hbm>>
      tpu.enqueue_dma source(%dma_start3A_21 : memref<528xi32, #tpu.memory_space<hbm>>) target(%arg12 : memref<528xi32, #tpu.memory_space<vmem>>) target_semaphore(%run_scoped3A : memref<!tpu.dma_semaphore, #tpu.memory_space<semaphore_mem>>)
      %dma_wait3A = arith.constant 0 : i32
      %dma_wait3A_22 = tpu.memref_slice %arg5[%add3A, %dma_wait3A] : memref<32x528xi32, #tpu.memory_space<hbm>> -> memref<1x528xi32, #tpu.memory_space<hbm>>
      %dma_wait3A_23 = tpu.memref_squeeze %dma_wait3A_22 : memref<1x528xi32, #tpu.memory_space<hbm>> -> memref<528xi32, #tpu.memory_space<hbm>>
      %dma_wait3A_24 = arith.constant 0 : i32
      %dma_wait3A_25 = tpu.memref_slice %arg5[%add3A, %dma_wait3A_24] : memref<32x528xi32, #tpu.memory_space<hbm>> -> memref<1x528xi32, #tpu.memory_space<hbm>>
      %dma_wait3A_26 = tpu.memref_squeeze %dma_wait3A_25 : memref<1x528xi32, #tpu.memory_space<hbm>> -> memref<528xi32, #tpu.memory_space<hbm>>
      tpu.wait_dma2 semaphore(%run_scoped3A : memref<!tpu.dma_semaphore, #tpu.memory_space<semaphore_mem>>) src(%dma_wait3A_26 : memref<528xi32, #tpu.memory_space<hbm>>) dst(%arg12 : memref<528xi32, #tpu.memory_space<vmem>>)
      tpu.yield
    }) : () -> ()
    %mul3A_1 = arith.constant 1568 : i32
    %mul3A_2 = arith.muli %add3A, %mul3A_1 : i32
    "tpu.region"() ({
      %run_scoped3A = tpu.sem_alloc : memref<!tpu.dma_semaphore, #tpu.memory_space<semaphore_mem>>
      %dma_start3A = tpu.memref_slice %arg4[%mul3A_2] : memref<50176xf32, #tpu.memory_space<hbm>> -> memref<1568xf32, #tpu.memory_space<hbm>>
      %dma_start3A_17 = tpu.memref_slice %arg4[%mul3A_2] : memref<50176xf32, #tpu.memory_space<hbm>> -> memref<1568xf32, #tpu.memory_space<hbm>>
      tpu.enqueue_dma source(%dma_start3A_17 : memref<1568xf32, #tpu.memory_space<hbm>>) target(%arg11 : memref<1568xf32, #tpu.memory_space<vmem>>) target_semaphore(%run_scoped3A : memref<!tpu.dma_semaphore, #tpu.memory_space<semaphore_mem>>)
      %dma_wait3A = tpu.memref_slice %arg4[%mul3A_2] : memref<50176xf32, #tpu.memory_space<hbm>> -> memref<1568xf32, #tpu.memory_space<hbm>>
      %dma_wait3A_18 = tpu.memref_slice %arg4[%mul3A_2] : memref<50176xf32, #tpu.memory_space<hbm>> -> memref<1568xf32, #tpu.memory_space<hbm>>
      tpu.wait_dma2 semaphore(%run_scoped3A : memref<!tpu.dma_semaphore, #tpu.memory_space<semaphore_mem>>) src(%dma_wait3A_18 : memref<1568xf32, #tpu.memory_space<hbm>>) dst(%arg11 : memref<1568xf32, #tpu.memory_space<vmem>>)
      tpu.yield
    }) : () -> ()
    %get3A = arith.constant 0 : index
    %get3A_3 = tpu.vector_load %arg12[%get3A] {strides = array<i32>} : memref<528xi32, #tpu.memory_space<vmem>>, vector<16xi32>,
    %slice3A = vector.extract_strided_slice %get3A_3 {offsets = [0], sizes = [1], strides = [1]} : vector<16xi32> to vector<1xi32>
    %squeeze3A = vector.extract %slice3A[0] : i32 from vector<1xi32>
    %while3A = arith.constant 0 : i32
    %while3A_4 = arith.constant 0 : i32
    %while3A_5 = arith.subi %squeeze3A, %while3A : i32
    %while3A_6 = arith.addi %while3A, %while3A_5 : i32
    %while3A_7 = arith.constant 1 : i32
    %while3A_8 = arith.divsi %while3A_5, %while3A_7 : i32
    %while3A_9 = arith.muli %while3A_8, %while3A_7 : i32
    %while3A_10 = arith.addi %while3A, %while3A_9 : i32
    %while3A_11 = arith.constant 1 : i32
    %while3A_12 = scf.for %while3A_17 = %while3A to %while3A_10 step %while3A_11 iter_args(%while3A_18 = %while3A_4) -> (i32)  : i32 {
      %add3A_19 = arith.constant 1 : i32
      %add3A_20 = arith.addi %add3A_19, %while3A_17 : i32
      %get3A_21 = arith.index_cast %add3A_20 : i32 to index
      %get3A_22 = tpu.vector_load %arg12[%get3A_21] {strides = array<i32>} : memref<528xi32, #tpu.memory_space<vmem>>, vector<16xi32>,
      %slice3A_23 = vector.extract_strided_slice %get3A_22 {offsets = [0], sizes = [1], strides = [1]} : vector<16xi32> to vector<1xi32>
      %squeeze3A_24 = vector.extract %slice3A_23[0] : i32 from vector<1xi32>
      %while3A_25 = arith.constant 0 : i32
      %while3A_26 = arith.constant 0 : i32
      %while3A_27 = arith.subi %squeeze3A_24, %while3A_26 : i32
      %while3A_28 = arith.addi %while3A_26, %while3A_27 : i32
      %while3A_29 = arith.constant 1 : i32
      %while3A_30 = arith.divsi %while3A_27, %while3A_29 : i32
      %while3A_31 = arith.muli %while3A_30, %while3A_29 : i32
      %while3A_32 = arith.addi %while3A_26, %while3A_31 : i32
      %while3A_33 = arith.constant 1 : i32
      scf.for %while3A_38 = %while3A_26 to %while3A_32 step %while3A_33  : i32 {
        %mul3A_39 = arith.constant 32 : i32
        %mul3A_40 = arith.muli %while3A_38, %mul3A_39 : i32
        %add3A_41 = arith.addi %while3A_18, %mul3A_40 : i32
        %shift_right_logical3A = arith.constant 1 : i32
        %shift_right_logical3A_42 = arith.shrui %add3A_41, %shift_right_logical3A : i32
        %get3A_43 = arith.index_cast %shift_right_logical3A_42 : i32 to index
        %get3A_44 = tpu.vector_load %arg10[%get3A_43] {strides = array<i32>} : memref<25984xi32, #tpu.memory_space<vmem>>, vector<16xi32>,
        %and3A = arith.constant 65535 : i32
        %and3A_45 = vector.broadcast %and3A : i32 to vector<16xi32>
        %and3A_46 = arith.andi %get3A_44, %and3A_45 : vector<16xi32>
        %shift_right_logical3A_47 = arith.constant 16 : i32
        %shift_right_logical3A_48 = vector.broadcast %shift_right_logical3A_47 : i32 to vector<16xi32>
        %shift_right_logical3A_49 = arith.shrui %get3A_44, %shift_right_logical3A_48 : vector<16xi32>
        %gather3A = tpu.vector_load_idx %arg8[%and3A_46] : memref<50176xf32, #tpu.memory_space<vmem>>[vector<16xi32>], vector<16xf32>,
        %gather3A_50 = tpu.vector_load_idx %arg8[%shift_right_logical3A_49] : memref<50176xf32, #tpu.memory_space<vmem>>[vector<16xi32>], vector<16xf32>,
        %get3A_51 = arith.index_cast %add3A_41 : i32 to index
        %get3A_52 = tpu.vector_load %arg9[%get3A_51] {strides = array<i32>} : memref<51968xf32, #tpu.memory_space<vmem>>, vector<16xf32>,
        %add3A_53 = arith.constant 16 : i32
        %add3A_54 = arith.addi %add3A_41, %add3A_53 : i32
        %get3A_55 = arith.index_cast %add3A_54 : i32 to index
        %get3A_56 = tpu.vector_load %arg9[%get3A_55] {strides = array<i32>} : memref<51968xf32, #tpu.memory_space<vmem>>, vector<16xf32>,
        %mul3A_57 = arith.constant 32 : i32
        %mul3A_58 = arith.muli %while3A_38, %mul3A_57 : i32
        %mul3A_59 = arith.mulf %get3A_52, %gather3A : vector<16xf32>
        %swap3A = arith.index_cast %mul3A_58 : i32 to index
        %swap3A_60 = tpu.vector_load %arg11[%swap3A] {strides = array<i32>} : memref<1568xf32, #tpu.memory_space<vmem>>, vector<16xf32>,
        tpu.vector_store %arg11[%swap3A], %mul3A_59 {add = true, strides = array<i32>} : memref<1568xf32, #tpu.memory_space<vmem>>, vector<16xf32>,
        %add3A_61 = arith.constant 16 : i32
        %add3A_62 = arith.addi %mul3A_58, %add3A_61 : i32
        %mul3A_63 = arith.mulf %get3A_56, %gather3A_50 : vector<16xf32>
        %swap3A_64 = arith.index_cast %add3A_62 : i32 to index
        %swap3A_65 = tpu.vector_load %arg11[%swap3A_64] {strides = array<i32>} : memref<1568xf32, #tpu.memory_space<vmem>>, vector<16xf32>,
        tpu.vector_store %arg11[%swap3A_64], %mul3A_63 {add = true, strides = array<i32>} : memref<1568xf32, #tpu.memory_space<vmem>>, vector<16xf32>,
      }
      %while3A_34 = arith.constant 1 : i32
      scf.for %while3A_38 = %while3A_32 to %while3A_28 step %while3A_34  : i32 {
        %mul3A_39 = arith.constant 32 : i32
        %mul3A_40 = arith.muli %while3A_38, %mul3A_39 : i32
        %add3A_41 = arith.addi %while3A_18, %mul3A_40 : i32
        %shift_right_logical3A = arith.constant 1 : i32
        %shift_right_logical3A_42 = arith.shrui %add3A_41, %shift_right_logical3A : i32
        %get3A_43 = arith.index_cast %shift_right_logical3A_42 : i32 to index
        %get3A_44 = tpu.vector_load %arg10[%get3A_43] {strides = array<i32>} : memref<25984xi32, #tpu.memory_space<vmem>>, vector<16xi32>,
        %and3A = arith.constant 65535 : i32
        %and3A_45 = vector.broadcast %and3A : i32 to vector<16xi32>
        %and3A_46 = arith.andi %get3A_44, %and3A_45 : vector<16xi32>
        %shift_right_logical3A_47 = arith.constant 16 : i32
        %shift_right_logical3A_48 = vector.broadcast %shift_right_logical3A_47 : i32 to vector<16xi32>
        %shift_right_logical3A_49 = arith.shrui %get3A_44, %shift_right_logical3A_48 : vector<16xi32>
        %gather3A = tpu.vector_load_idx %arg8[%and3A_46] : memref<50176xf32, #tpu.memory_space<vmem>>[vector<16xi32>], vector<16xf32>,
        %gather3A_50 = tpu.vector_load_idx %arg8[%shift_right_logical3A_49] : memref<50176xf32, #tpu.memory_space<vmem>>[vector<16xi32>], vector<16xf32>,
        %get3A_51 = arith.index_cast %add3A_41 : i32 to index
        %get3A_52 = tpu.vector_load %arg9[%get3A_51] {strides = array<i32>} : memref<51968xf32, #tpu.memory_space<vmem>>, vector<16xf32>,
        %add3A_53 = arith.constant 16 : i32
        %add3A_54 = arith.addi %add3A_41, %add3A_53 : i32
        %get3A_55 = arith.index_cast %add3A_54 : i32 to index
        %get3A_56 = tpu.vector_load %arg9[%get3A_55] {strides = array<i32>} : memref<51968xf32, #tpu.memory_space<vmem>>, vector<16xf32>,
        %mul3A_57 = arith.constant 32 : i32
        %mul3A_58 = arith.muli %while3A_38, %mul3A_57 : i32
        %mul3A_59 = arith.mulf %get3A_52, %gather3A : vector<16xf32>
        %swap3A = arith.index_cast %mul3A_58 : i32 to index
        %swap3A_60 = tpu.vector_load %arg11[%swap3A] {strides = array<i32>} : memref<1568xf32, #tpu.memory_space<vmem>>, vector<16xf32>,
        tpu.vector_store %arg11[%swap3A], %mul3A_59 {add = true, strides = array<i32>} : memref<1568xf32, #tpu.memory_space<vmem>>, vector<16xf32>,
        %add3A_61 = arith.constant 16 : i32
        %add3A_62 = arith.addi %mul3A_58, %add3A_61 : i32
        %mul3A_63 = arith.mulf %get3A_56, %gather3A_50 : vector<16xf32>
        %swap3A_64 = arith.index_cast %add3A_62 : i32 to index
        %swap3A_65 = tpu.vector_load %arg11[%swap3A_64] {strides = array<i32>} : memref<1568xf32, #tpu.memory_space<vmem>>, vector<16xf32>,
        tpu.vector_store %arg11[%swap3A_64], %mul3A_63 {add = true, strides = array<i32>} : memref<1568xf32, #tpu.memory_space<vmem>>, vector<16xf32>,
      }
      %mul3A_35 = arith.constant 32 : i32
      %mul3A_36 = arith.muli %squeeze3A_24, %mul3A_35 : i32
      %add3A_37 = arith.addi %while3A_18, %mul3A_36 : i32
      scf.yield %add3A_37 : i32
    }
    %while3A_13 = arith.constant 1 : i32
    %while3A_14 = scf.for %while3A_17 = %while3A_10 to %while3A_6 step %while3A_13 iter_args(%while3A_18 = %while3A_12) -> (i32)  : i32 {
      %add3A_19 = arith.constant 1 : i32
      %add3A_20 = arith.addi %add3A_19, %while3A_17 : i32
      %get3A_21 = arith.index_cast %add3A_20 : i32 to index
      %get3A_22 = tpu.vector_load %arg12[%get3A_21] {strides = array<i32>} : memref<528xi32, #tpu.memory_space<vmem>>, vector<16xi32>,
      %slice3A_23 = vector.extract_strided_slice %get3A_22 {offsets = [0], sizes = [1], strides = [1]} : vector<16xi32> to vector<1xi32>
      %squeeze3A_24 = vector.extract %slice3A_23[0] : i32 from vector<1xi32>
      %while3A_25 = arith.constant 0 : i32
      %while3A_26 = arith.constant 0 : i32
      %while3A_27 = arith.subi %squeeze3A_24, %while3A_26 : i32
      %while3A_28 = arith.addi %while3A_26, %while3A_27 : i32
      %while3A_29 = arith.constant 1 : i32
      %while3A_30 = arith.divsi %while3A_27, %while3A_29 : i32
      %while3A_31 = arith.muli %while3A_30, %while3A_29 : i32
      %while3A_32 = arith.addi %while3A_26, %while3A_31 : i32
      %while3A_33 = arith.constant 1 : i32
      scf.for %while3A_38 = %while3A_26 to %while3A_32 step %while3A_33  : i32 {
        %mul3A_39 = arith.constant 32 : i32
        %mul3A_40 = arith.muli %while3A_38, %mul3A_39 : i32
        %add3A_41 = arith.addi %while3A_18, %mul3A_40 : i32
        %shift_right_logical3A = arith.constant 1 : i32
        %shift_right_logical3A_42 = arith.shrui %add3A_41, %shift_right_logical3A : i32
        %get3A_43 = arith.index_cast %shift_right_logical3A_42 : i32 to index
        %get3A_44 = tpu.vector_load %arg10[%get3A_43] {strides = array<i32>} : memref<25984xi32, #tpu.memory_space<vmem>>, vector<16xi32>,
        %and3A = arith.constant 65535 : i32
        %and3A_45 = vector.broadcast %and3A : i32 to vector<16xi32>
        %and3A_46 = arith.andi %get3A_44, %and3A_45 : vector<16xi32>
        %shift_right_logical3A_47 = arith.constant 16 : i32
        %shift_right_logical3A_48 = vector.broadcast %shift_right_logical3A_47 : i32 to vector<16xi32>
        %shift_right_logical3A_49 = arith.shrui %get3A_44, %shift_right_logical3A_48 : vector<16xi32>
        %gather3A = tpu.vector_load_idx %arg8[%and3A_46] : memref<50176xf32, #tpu.memory_space<vmem>>[vector<16xi32>], vector<16xf32>,
        %gather3A_50 = tpu.vector_load_idx %arg8[%shift_right_logical3A_49] : memref<50176xf32, #tpu.memory_space<vmem>>[vector<16xi32>], vector<16xf32>,
        %get3A_51 = arith.index_cast %add3A_41 : i32 to index
        %get3A_52 = tpu.vector_load %arg9[%get3A_51] {strides = array<i32>} : memref<51968xf32, #tpu.memory_space<vmem>>, vector<16xf32>,
        %add3A_53 = arith.constant 16 : i32
        %add3A_54 = arith.addi %add3A_41, %add3A_53 : i32
        %get3A_55 = arith.index_cast %add3A_54 : i32 to index
        %get3A_56 = tpu.vector_load %arg9[%get3A_55] {strides = array<i32>} : memref<51968xf32, #tpu.memory_space<vmem>>, vector<16xf32>,
        %mul3A_57 = arith.constant 32 : i32
        %mul3A_58 = arith.muli %while3A_38, %mul3A_57 : i32
        %mul3A_59 = arith.mulf %get3A_52, %gather3A : vector<16xf32>
        %swap3A = arith.index_cast %mul3A_58 : i32 to index
        %swap3A_60 = tpu.vector_load %arg11[%swap3A] {strides = array<i32>} : memref<1568xf32, #tpu.memory_space<vmem>>, vector<16xf32>,
        tpu.vector_store %arg11[%swap3A], %mul3A_59 {add = true, strides = array<i32>} : memref<1568xf32, #tpu.memory_space<vmem>>, vector<16xf32>,
        %add3A_61 = arith.constant 16 : i32
        %add3A_62 = arith.addi %mul3A_58, %add3A_61 : i32
        %mul3A_63 = arith.mulf %get3A_56, %gather3A_50 : vector<16xf32>
        %swap3A_64 = arith.index_cast %add3A_62 : i32 to index
        %swap3A_65 = tpu.vector_load %arg11[%swap3A_64] {strides = array<i32>} : memref<1568xf32, #tpu.memory_space<vmem>>, vector<16xf32>,
        tpu.vector_store %arg11[%swap3A_64], %mul3A_63 {add = true, strides = array<i32>} : memref<1568xf32, #tpu.memory_space<vmem>>, vector<16xf32>,
      }
      %while3A_34 = arith.constant 1 : i32
      scf.for %while3A_38 = %while3A_32 to %while3A_28 step %while3A_34  : i32 {
        %mul3A_39 = arith.constant 32 : i32
        %mul3A_40 = arith.muli %while3A_38, %mul3A_39 : i32
        %add3A_41 = arith.addi %while3A_18, %mul3A_40 : i32
        %shift_right_logical3A = arith.constant 1 : i32
        %shift_right_logical3A_42 = arith.shrui %add3A_41, %shift_right_logical3A : i32
        %get3A_43 = arith.index_cast %shift_right_logical3A_42 : i32 to index
        %get3A_44 = tpu.vector_load %arg10[%get3A_43] {strides = array<i32>} : memref<25984xi32, #tpu.memory_space<vmem>>, vector<16xi32>,
        %and3A = arith.constant 65535 : i32
        %and3A_45 = vector.broadcast %and3A : i32 to vector<16xi32>
        %and3A_46 = arith.andi %get3A_44, %and3A_45 : vector<16xi32>
        %shift_right_logical3A_47 = arith.constant 16 : i32
        %shift_right_logical3A_48 = vector.broadcast %shift_right_logical3A_47 : i32 to vector<16xi32>
        %shift_right_logical3A_49 = arith.shrui %get3A_44, %shift_right_logical3A_48 : vector<16xi32>
        %gather3A = tpu.vector_load_idx %arg8[%and3A_46] : memref<50176xf32, #tpu.memory_space<vmem>>[vector<16xi32>], vector<16xf32>,
        %gather3A_50 = tpu.vector_load_idx %arg8[%shift_right_logical3A_49] : memref<50176xf32, #tpu.memory_space<vmem>>[vector<16xi32>], vector<16xf32>,
        %get3A_51 = arith.index_cast %add3A_41 : i32 to index
        %get3A_52 = tpu.vector_load %arg9[%get3A_51] {strides = array<i32>} : memref<51968xf32, #tpu.memory_space<vmem>>, vector<16xf32>,
        %add3A_53 = arith.constant 16 : i32
        %add3A_54 = arith.addi %add3A_41, %add3A_53 : i32
        %get3A_55 = arith.index_cast %add3A_54 : i32 to index
        %get3A_56 = tpu.vector_load %arg9[%get3A_55] {strides = array<i32>} : memref<51968xf32, #tpu.memory_space<vmem>>, vector<16xf32>,
        %mul3A_57 = arith.constant 32 : i32
        %mul3A_58 = arith.muli %while3A_38, %mul3A_57 : i32
        %mul3A_59 = arith.mulf %get3A_52, %gather3A : vector<16xf32>
        %swap3A = arith.index_cast %mul3A_58 : i32 to index
        %swap3A_60 = tpu.vector_load %arg11[%swap3A] {strides = array<i32>} : memref<1568xf32, #tpu.memory_space<vmem>>, vector<16xf32>,
        tpu.vector_store %arg11[%swap3A], %mul3A_59 {add = true, strides = array<i32>} : memref<1568xf32, #tpu.memory_space<vmem>>, vector<16xf32>,
        %add3A_61 = arith.constant 16 : i32
        %add3A_62 = arith.addi %mul3A_58, %add3A_61 : i32
        %mul3A_63 = arith.mulf %get3A_56, %gather3A_50 : vector<16xf32>
        %swap3A_64 = arith.index_cast %add3A_62 : i32 to index
        %swap3A_65 = tpu.vector_load %arg11[%swap3A_64] {strides = array<i32>} : memref<1568xf32, #tpu.memory_space<vmem>>, vector<16xf32>,
        tpu.vector_store %arg11[%swap3A_64], %mul3A_63 {add = true, strides = array<i32>} : memref<1568xf32, #tpu.memory_space<vmem>>, vector<16xf32>,
      }
      %mul3A_35 = arith.constant 32 : i32
      %mul3A_36 = arith.muli %squeeze3A_24, %mul3A_35 : i32
      %add3A_37 = arith.addi %while3A_18, %mul3A_36 : i32
      scf.yield %add3A_37 : i32
    }
    %mul3A_15 = arith.constant 1568 : i32
    %mul3A_16 = arith.muli %add3A, %mul3A_15 : i32
    "tpu.region"() ({
      %run_scoped3A = tpu.sem_alloc : memref<!tpu.dma_semaphore, #tpu.memory_space<semaphore_mem>>
      %dma_start3A = tpu.memref_slice %arg7[%mul3A_16] : memref<50176xf32, #tpu.memory_space<hbm>> -> memref<1568xf32, #tpu.memory_space<hbm>>
      %dma_start3A_17 = tpu.memref_slice %arg7[%mul3A_16] : memref<50176xf32, #tpu.memory_space<hbm>> -> memref<1568xf32, #tpu.memory_space<hbm>>
      tpu.enqueue_dma source(%arg11 : memref<1568xf32, #tpu.memory_space<vmem>>) target(%dma_start3A_17 : memref<1568xf32, #tpu.memory_space<hbm>>) target_semaphore(%run_scoped3A : memref<!tpu.dma_semaphore, #tpu.memory_space<semaphore_mem>>)
      %dma_wait3A = tpu.memref_slice %arg7[%mul3A_16] : memref<50176xf32, #tpu.memory_space<hbm>> -> memref<1568xf32, #tpu.memory_space<hbm>>
      %dma_wait3A_18 = tpu.memref_slice %arg7[%mul3A_16] : memref<50176xf32, #tpu.memory_space<hbm>> -> memref<1568xf32, #tpu.memory_space<hbm>>
      tpu.wait_dma2 semaphore(%run_scoped3A : memref<!tpu.dma_semaphore, #tpu.memory_space<semaphore_mem>>) src(%arg11 : memref<1568xf32, #tpu.memory_space<vmem>>) dst(%dma_wait3A_18 : memref<1568xf32, #tpu.memory_space<hbm>>)
      tpu.yield
    }) : () -> ()
    return
  }
}

</mosaic_0001>

<sc_bundles>
// kernel: closed_call.6.cloned.1.call-start
scs
__scs_entry_jumppad:
0x0: {  	(pc) =	sbr.rel $0x88, $3  }
0x1: {  	(tag) =	ssettag $0x0;
	lr =	simm.s32 $0x1  }
0x2: {  	[smem:$0x3F9A] =	sst lr;
	_ =	strace $0xD0000000  }
0x3: {  	_ = 	snop  }
0x4: {  	_ = 	snop  }
0x5: {  	_ = 	snop  }
0x6: {  	_ = 	snop  }
0x7: {  	_ = 	snop  }
__scs_overlays_trampoline_lowered:
0x8: {  	[smem:$0x3FA9] =	sst s0  }
0x9: {  	[smem:$0x3FAA] =	sst s1  }
0xa: {  	[smem:$0x3FAB] =	sst s2  }
0xb: {  	[smem:$0x3FAC] =	sst s3  }
0xc: {  	[smem:$0x3FAD] =	sst s4  }
0xd: {  	[smem:$0x3FAE] =	sst s5  }
0xe: {  	[smem:$0x3FAF] =	sst s6  }
0xf: {  	[smem:$0x3FB0] =	sst s7  }
0x10: {  	[smem:$0x3FB1] =	sst s8  }
0x11: {  	[smem:$0x3FB2] =	sst s9;
	s0 =	simm.s32 @!p0 $0x0  }
0x12: {  	s1 =	sld [smem:$0x3F98];
	s0 =	simm.s32 @p0 $0x1  }
0x13: {  	[smem:$0x3FB3] =	sst s0;
	s0 =	simm.s32 @!p1 $0x0  }
0x14: {  	s2 =	sld [smem:$0x3F97];
	s0 =	simm.s32 @p1 $0x1  }
0x15: {  	[smem:$0x3FB4] =	sst s0;
	s0 =	simm.s32 @!p2 $0x0  }
0x16: {  	s3 =	sld [smem:$0x3FDB];
	s0 =	simm.s32 @p2 $0x1  }
0x17: {  	s4 =	simm.s32 $0x1BF5;
	[smem:$0x3FB6] =	sst s0  }
0x18: {  	s0 =	sld [smem:$0x3F99];
	_ =	swait.ge [sflag:s4], $0x0  }
0x19: {  	s7 =	sld [smem:$0x3F9A]  }
0x1a: {  	s8 =	sadd.s32 $0xFFFFE003, lr  }
0x1b: {  	s9 =	sadd.s32 $0xFFFFFEF7, lr;
	s5 =	simm.s32 $0xFFFFFFFF;
	p2 =	slt.u32 s8, $0xFFFFF086  }
0x1c: {  	p1 =	slt.u32 s9, $0xF7A;
	s5 =	simm.s32 @!p2 $0x0  }
0x1d: {  	s5 =	simm.s32 @p1 $0x1;
	p0 =	seq.s32 s7, s2  }
0x1e: {  	s7 =	smul.u32 @!p0 $0xF7A, s2;
	p2 =	seq.s32 @!p0 s5, $0x0  }
0x1f: {  	s9 =	smul.u32 $0xF7A, s1;
	s8 =	simm.s32 @!p0 $0x1BF5;
	p2 =	por !p2, p0  }
0x20: {  	[sflag:s8] =	ssyncset.s32 @!p0 $0xFFFFF086;
	s6 =	sadd.s32 @!p0 s3, s7;
	s7 =	simm.s32 @!p0 $0x108  }
0x21: {  	s3 =	sadd.s32 s3, s9;
	s6 =	sadd.s32 @!p0 $0x88, s6;
	s7 =	simm.s32 @p2 $0x1082  }
0x22: {  	[simem:s7], [sflag:s8] =	dma.local @!p0 [hbm:s6], $0xF7A  }
0x23: {  	s9 =	sor.u32 $0xD0000000, s2;
	s6 =	simm.s32 $0x108;
	_ =	swait.ge @!p0 [sflag:s8], $0x0  }
0x24: {  	s3 =	sadd.s32 $0x88, s3;
	s6 =	simm.s32 @!p1 $0x1082;
	[sflag:s4] =	ssyncset.s32 $0xFFFFF086  }
0x25: {  	[simem:s6], [sflag:s4] =	dma.local [hbm:s3], $0xF7A  }
0x26: {  	[smem:$0x3F9A] =	sst s1;
	(tag) =	ssettag s2;
	_ =	strace s9  }
0x27: {  	s1 =	sld [smem:$0x3FAA]  }
0x28: {  	s2 =	sld [smem:$0x3FAB]  }
0x29: {  	s4 =	sld [smem:$0x3FAD]  }
0x2a: {  	p0 =	seq.s32 s5, $0x0;
	s5 =	sld [smem:$0x3FAE]  }
0x2b: {  	s6 =	sld [smem:$0x3FAF]  }
0x2c: {  	s7 =	sld [smem:$0x3FB0]  }
0x2d: {  	s3 =	simm.s32 $0x108;
	s8 =	sld [smem:$0x3FB1]  }
0x2e: {  	s3 =	simm.s32 @!p0 $0x1082;
	s9 =	sld [smem:$0x3FB2]  }
0x2f: {  	lr =	sadd.s32 s0, s3;
	s0 =	sld [smem:$0x3FA9]  }
0x30: {  	s3 =	sld [smem:$0x3FAC]  }
0x31: {  	[smem:$0x3FB5] =	sst s10  }
0x32: {  	s10 =	sld [smem:$0x3FB3];
	_ =	sdelay $0x3  }
0x33: {  	p0 =	seq.s32 s10, $0x1;
	s10 =	sld [smem:$0x3FB5];
	_ =	sdelay $0x3  }
0x34: {  	[smem:$0x3FB5] =	sst s10  }
0x35: {  	s10 =	sld [smem:$0x3FB4];
	_ =	sdelay $0x3  }
0x36: {  	p1 =	seq.s32 s10, $0x1;
	s10 =	sld [smem:$0x3FB5];
	_ =	sdelay $0x3  }
0x37: {  	[smem:$0x3FB5] =	sst s10  }
0x38: {  	s10 =	sld [smem:$0x3FB6]  }
0x39: {  	_ = 	snop;
	(pc) =	sbr.ind lr, $3  }
0x3a: {  	_ = 	snop  }
0x3b: {  	_ = 	snop  }
0x3c: {  	p2 =	seq.s32 s10, $0x1;
	s10 =	sld [smem:$0x3FB5]  }
0x3d: {  	_ =	shalt  }
0x3e: {  	_ =	shalt  }
0x3f: {  	_ =	shalt  }
0x40: {  	_ =	shalt  }
0x41: {  	_ =	shalt  }
0x42: {  	_ =	shalt  }
0x43: {  	_ =	shalt  }
0x44: {  	_ =	shalt  }
0x45: {  	_ =	shalt  }
0x46: {  	_ =	shalt  }
0x47: {  	_ =	shalt  }
0x48: {  	_ =	shalt  }
0x49: {  	_ =	shalt  }
0x4a: {  	_ =	shalt  }
0x4b: {  	_ =	shalt  }
0x4c: {  	_ =	shalt  }
0x4d: {  	_ =	shalt  }
0x4e: {  	_ =	shalt  }
0x4f: {  	_ =	shalt  }
0x50: {  	_ =	shalt  }
0x51: {  	_ =	shalt  }
0x52: {  	_ =	shalt  }
0x53: {  	_ =	shalt  }
0x54: {  	_ =	shalt  }
0x55: {  	_ =	shalt  }
0x56: {  	_ =	shalt  }
0x57: {  	_ =	shalt  }
0x58: {  	_ =	shalt  }
0x59: {  	_ =	shalt  }
0x5a: {  	_ =	shalt  }
0x5b: {  	_ =	shalt  }
0x5c: {  	_ =	shalt  }
0x5d: {  	_ =	shalt  }
0x5e: {  	_ =	shalt  }
0x5f: {  	_ =	shalt  }
0x60: {  	_ =	shalt  }
0x61: {  	_ =	shalt  }
0x62: {  	_ =	shalt  }
0x63: {  	_ =	shalt  }
0x64: {  	_ =	shalt  }
0x65: {  	_ =	shalt  }
0x66: {  	_ =	shalt  }
0x67: {  	_ =	shalt  }
0x68: {  	_ =	shalt  }
0x69: {  	_ =	shalt  }
0x6a: {  	_ =	shalt  }
0x6b: {  	_ =	shalt  }
0x6c: {  	_ =	shalt  }
0x6d: {  	_ =	shalt  }
0x6e: {  	_ =	shalt  }
0x6f: {  	_ =	shalt  }
0x70: {  	_ =	shalt  }
0x71: {  	_ =	shalt  }
0x72: {  	_ =	shalt  }
0x73: {  	_ =	shalt  }
0x74: {  	_ =	shalt  }
0x75: {  	_ =	shalt  }
0x76: {  	_ =	shalt  }
0x77: {  	_ =	shalt  }
0x78: {  	_ =	shalt  }
0x79: {  	_ =	shalt  }
0x7a: {  	_ =	shalt  }
0x7b: {  	_ =	shalt  }
0x7c: {  	_ =	shalt  }
0x7d: {  	_ =	shalt  }
0x7e: {  	_ =	shalt  }
0x7f: {  	_ =	shalt  }
0x80: {  	_ =	shalt  }
0x81: {  	_ =	shalt  }
0x82: {  	_ =	shalt  }
0x83: {  	_ =	shalt  }
0x84: {  	_ =	shalt  }
0x85: {  	_ =	shalt  }
0x86: {  	_ =	shalt  }
0x87: {  	_ =	shalt  }
.Lfunc_end0:
.L_simem_size_0:
called_computation.6_lowered:
.L_overlay_start_0:
0x88: {  	s2 =	sld [smem:$0x3FD9]  }
0x89: {  	s3 =	sld [smem:$0x3FFE];
	_ =	sdelay $0x1  }
0x8a: {  	s1 =	srdreg.scid  }
0x8b: {  	s0 =	sand.u32 $0x1, s1  }
0x8c: {  	s16 =	sshll.u32 s0, $0xA;
	s2 =	sadd.s32 s3, s2  }
0x8d: {  	s2 =	sadd.s32 s2, s16  }
0x8e: {  	[smem:$0x3FC1] =	sst s2  }
0x8f: {  	_ = 	snop  }
0x90: {  	(tm) =	ssettm $0x1  }
0x91: {  	s17 =	sld [smem:$0x3FFB];
	_ =	sdelay $0x3  }
0x92: {  	_ =	strace s17  }
0x93: {  	s2 =	sld [smem:$0x3FFC];
	_ =	sdelay $0x3  }
0x94: {  	_ =	strace s2  }
0x95: {  	s2 =	sld [smem:$0x3FFD];
	_ =	sdelay $0x3  }
0x96: {  	_ =	strace s2  }
0x97: {  	_ =	strace $0x8FFFFFFF  }
0x98: {  	s18 =	sld [smem:$0x3FDB];
	_ =	sdelay $0x1  }
0x99: {  	s19 =	simm.s32 $_scs_section_size  }
0x9a: {  	s4 =	simm.s32 $_size__tile_overlayer_lowered;
	s5 =	simm.s32 $_tile_overlayer_lowered  }
0x9b: {  	s22 =	simm.s32 $0x1BFF;
	s21 =	sshll.u32 s5, $0x1;
	s2 =	sadd.s32 s19, s18  }
0x9c: {  	s6 =	simm.s32 $0x0;
	s20 =	sshll.u32 s4, $0x1;
	s4 =	sadd.s32 s21, s2  }
0x9d: {  	[timem:s6], [sflag:s22] =	dma.local [hbm:s4], s20  }
0x9e: {  	_ =	swait.ge [sflag:s22], s20  }
0x9f: {  	s3 =	ssub.s32 $0x0, s20;
	[sflag:s22] =	ssyncset.done $0x0  }
0xa0: {  	[sflag:s22] =	ssyncadd.s32 s3;
	_ =	sdelay $0x1  }
0xa1: {  	s23 =	simm.s32 $0x1B8B  }
0xa2: {  	_ =	swait.ge [sflag:s23], $0x1  }
0xa3: {  	[sflag:s23] =	ssyncset.done $0x0  }
0xa4: {  	s25 =	simm.s32 $0x1B8E;
	s24 =	sld [smem:$0x3FFE];
	[sflag:s23] =	ssyncadd.s32 $0xFFFFFFFF  }
0xa5: {  	s26 =	simm.s32 $execute0_lowered;
	[smem:$0x3FD2] =	sst s25  }
0xa6: {  	s4 =	sshll.u32 s26, $0x1;
	_ =	strace $0x8000005B;
	[dreg:$0x1] =	wrdreg $0xFFFFFFFF  }
0xa7: {  	s28 =	simm.s32 $_size_execute0_lowered;
	s2 =	sadd.s32 s2, s4;
	[dreg:$0x0] =	wrdreg $0x0  }
0xa8: {  	s4 =	sshll.u32 s28, $0x1;
	[dreg:$0x2] =	wrdreg s2  }
0xa9: {  	[dreg:$0x3] =	wrdreg s4  }
0xaa: {  	[dreg:$0x4] =	wrdreg $0xC0  }
0xab: {  	_ =	task [dreg:s6], $0x5FFFF  }
0xac: {  	[dreg:$0x1] =	wrdreg $0xFFFFFFFF  }
0xad: {  	[dreg:$0x0] =	wrdreg $0x60  }
0xae: {  	[dreg:$0x2] =	wrdreg s24  }
0xaf: {  	[dreg:$0x3] =	wrdreg $0x9  }
0xb0: {  	_ =	task.clear_ibuf [dreg:s6], $0x4FFFF;
	_ =	strace $0x9000005B  }
0xb1: {  	s29 =	simm.s32 $0x9;
	_ =	strace $0x8000005D  }
0xb2: {  	_ =	swait.ge [sflag:s29], $0x1  }
0xb3: {  	[sflag:s29] =	ssyncadd.s32 $0xFFFFFFFF  }
0xb4: {  	_ =	strace $0x9000005D  }
0xb5: {  	_ =	sfence  }
0xb6: {  	s30 =	sld [smem:$0x0];
	_ =	sdelay $0x2  }
0xb7: {  	s31 =	sshll.u32 s1, $0xD;
	s1 =	sshrl.u32 s1, $0x2  }
0xb8: {  	s3 =	sand.u32 $0x4000, s31;
	s1 =	sadd.s32 s1, s30  }
0xb9: {  	s0 =	sor.u32 s3, s0;
	s1 =	sshll.u32 s1, $0x11  }
0xba: {  	s0 =	sor.u32 s1, s0  }
0xbb: {  	s0 =	sadd.s32 $0x8F2B, s0  }
0xbc: {  	[sflag:s0] =	ssyncadd.remote.s32 $0x1  }
0xbd: {  	_ =	sfence.sel $0xFFFF  }
0xbe: {  	[dreg:$0x0] =	wrdreg $0xFFFFFFFF;
	(pc) =	sbr.abs _section_cstart, $3  }
0xbf: {  	[dreg:$0x1] =	wrdreg $0xFFFFFFFF  }
0xc0: {  	_ =	task.clear_ibuf [dreg:s6], $0x2FFFF;
	_ =	strace $0x9FFFFFFF  }
0xc1: {  	(tm) =	ssettm $0x7FFFFFFF  }
tec
execute0_lowered:
.L_overlay_start_1:
0x0: {  	(tag) =	ssettag $0x1  }
0x1: {  	s1 =	srdreg.scid  }
0x2: {  	s0 =	stileid.u32;
	s4 =	rddreg [dreg:$0x0];
	s2 =	simm.s32 $0x0  }
0x3: {  	s11 =	simm.s32 $0x80;
	s12 =	simm.s32 $0x400;
	s13 =	simm.s32 $0xC400  }
0x4: {  	s14 =	simm.s32 $0x18F00;
	s15 =	simm.s32 $0x1FB00;
	s16 =	simm.s32 $0x1F480  }
0x5: {  	s17 =	simm.s32 $0x0;
	s3 =	sand.u32 $0x1, s1;
	s6 =	sshrl.u32 s0, $0x2  }
0x6: {  	s28 =	sshll.u32 s0, $0x1;
	s1 =	rddreg [dreg:$0x1];
	s8 =	smul.u32 $0x32C00, s6  }
0x7: {  	[smem:$0x7FF] =	sst s2;
	s5 =	sor.u32 s3, s28;
	s9 =	smul.u32 $0x65800, s6  }
0x8: {  	s6 =	smul.u32 $0x1400, s6;
	_ =	strace $0x8000005C;
	s7 =	sshll.u32 s5, $0x7  }
0x9: {  	s30 =	ssub.s32 $0x2, s3;
	s5 =	smul.u32 $0xC4, s5;
	s7 =	sand.u32 $0x380, s7  }
0xa: {  	s3 =	sadd.s32 $0x80400, s4;
	s31 =	sshrl.u32 s30, $0x1;
	s8 =	sor.u32 s8, s7  }
0xb: {  	s9 =	sor.u32 s9, s7;
	s6 =	sor.u32 s6, s7;
	s10 =	sadd.s32 s5, s4  }
.Ltmp0:
0xc: {  	s8 =	sshrl.u32 s8, $0x3;
	s29 =	sshrl.u32 s9, $0x3;
	(pc) =	sbr.rel .LBB2_1-.Ltmp0, $4  }
0xd: {  	s6 =	sshrl.u32 s6, $0x3;
	s9 =	ssub.s32 s30, s31;
	s8 =	sadd.s32 s8, s4  }
0xe: {  	s7 =	sadd.s32 s29, s4;
	s6 =	sadd.s32 s6, s4;
	s9 =	smax.u32 s9, $0x1  }
0xf: {  	s4 =	sadd.s32 $0x94A00, s7;
	s5 =	sadd.s32 $0x63A00, s8;
	s6 =	sadd.s32 $0xF6800, s6  }
0x10: {  	s7 =	sadd.s32 $0x7EA00, s10;
	s8 =	sadd.s32 $0x7D000, s10;
	s10 =	simm.s32 $0x1  }
.LBB2_9:
0x11: {  	s17 =	sadd.s32 $0x1, s17  }
0x12: {  	p0 =	sne.s32 s17, s9  }
.Ltmp1:
0x13: {  	_ = 	snop;
	(pc) =	sbr.rel @!p0 .LBB2_10-.Ltmp1, $4  }
0x14: {  	[hbm4b:s8+s2] =	stream.linear.scatter [tilespmem:s16], [sflag:$0x1], $0x620, $0x38;
	[tilespmem:$0x1FD80] =	vst v63  }
0x15: {  	_ =	swait.ge [sflag:s10], $0x620  }
0x16: {  	[sflag:s10] =	ssyncset.done $0x0  }
0x17: {  	[sflag:s10] =	ssyncadd.s32 $0xFFFFF9E0  }
.LBB2_1:
0x18: {  	[tilespmem:s2], [sflag:$0x1] =	stream.linear.gather [hbm4b:s3+s2], $0xC400, $0x38;
	[tilespmem:$0x1FD80] =	vst v63  }
0x19: {  	_ =	swait.ge [sflag:s10], $0xC400  }
0x1a: {  	[sflag:s10] =	ssyncset.done $0x0  }
0x1b: {  	[sflag:s10] =	ssyncadd.s32 $0xFFFF3C00  }
0x1c: {  	[tilespmem:s13], [sflag:$0x1] =	stream.strided.gather [hbm4b:s4+s11], $0xCB00, s12, s11, $0x38;
	[tilespmem:$0x1FD80] =	vst v63  }
0x1d: {  	_ =	swait.ge [sflag:s10], $0xCB00  }
0x1e: {  	[sflag:s10] =	ssyncset.done $0x0  }
0x1f: {  	[sflag:s10] =	ssyncadd.s32 $0xFFFF3500  }
0x20: {  	[tilespmem:s14], [sflag:$0x1] =	stream.strided.gather [hbm4b:s5+s11], $0x6580, s12, s11, $0x38;
	[tilespmem:$0x1FD80] =	vst v63  }
0x21: {  	_ =	swait.ge [sflag:s10], $0x6580  }
0x22: {  	[sflag:s10] =	ssyncset.done $0x0  }
0x23: {  	[sflag:s10] =	ssyncadd.s32 $0xFFFF9A80  }
0x24: {  	[tilespmem:s15], [sflag:$0x1] =	stream.strided.gather [hbm4b:s6+s11], $0x280, s12, s11, $0x38;
	[tilespmem:$0x1FD80] =	vst v63  }
0x25: {  	_ =	swait.ge [sflag:s10], $0x280  }
0x26: {  	[sflag:s10] =	ssyncset.done $0x0  }
0x27: {  	[sflag:s10] =	ssyncadd.s32 $0xFFFFFD80  }
0x28: {  	[tilespmem:s16], [sflag:$0x1] =	stream.linear.gather [hbm4b:s7+s2], $0x620, $0x38;
	[tilespmem:$0x1FD80] =	vst v63  }
0x29: {  	_ =	swait.ge [sflag:s10], $0x620  }
0x2a: {  	[sflag:s10] =	ssyncset.done $0x0  }
0x2b: {  	[sflag:s10] =	ssyncadd.s32 $0xFFFFF9E0  }
0x2c: {  	v0 =	vld [tilespmem:$0x1FB00];
	_ =	sdelay $0x4  }
0x2d: {  	(v2sf) =	vpush v0, $0x0;
	_ =	sdelay $0xe  }
0x2e: {  	s18 =	spop (v2sf)  }
0x2f: {  	p0 =	slt.s32 s18, $0x1  }
.Ltmp2:
0x30: {  	_ = 	snop;
	(pc) =	sbr.rel @!p0 .LBB2_2-.Ltmp2, $4  }
.Ltmp3:
0x31: {  	_ = 	snop;
	(pc) =	sbr.rel @p0 .LBB2_9-.Ltmp3, $4  }
0x32: {  	_ = 	snop  }
0x33: {  	_ = 	snop  }
0x34: {  	s19 =	simm.s32 $0x0;
	s20 =	simm.s32 $0x0  }
0x35: {  	_ = 	snop  }
.LBB2_5:
0x36: {  	s26 =	simm.s32 $0x1F490;
	s24 =	simm.s32 $0x1F490;
	s28 =	smov.u32 s23  }
.LBB2_7:
0x37: {  	s25 =	sshrl.u32 s25, $0x1;
	[tilespmem:s26+$0xFFFFFFF0] =	vst.add.f32.msk @p0 $0xffff, v1  }
0x38: {  	[tilespmem:s26+$0x0] =	vst.add.f32.msk @p0 $0xffff, v0;
	s25 =	sand.u32 $0x7FFFFFF0, s25  }
0x39: {  	v0 =	vld [tilespmem:s25+$0x18F00];
	_ =	sdelay $0x4  }
0x3a: {  	v63 =	vand.u32 $0xFFFF, v0  }
0x3b: {  	s25 =	sadd.s32 @p0 $0x20, s28;
	v0 =	vshrl.u32 v0, $0x10  }
0x3c: {  	s23 =	smov.u32 @p0 s25  }
0x3d: {  	v2 =	vld [tilespmem:s23+$0x0]  }
0x3e: {  	v3 =	vld [tilespmem:s23+$0xFFFFFFF0]  }
0x3f: {  	v1 =	vld.idx.msk [tilespmem:v63+s2+$0x0], $0xffff  }
0x40: {  	v0 =	vld.idx.msk [tilespmem:v0+s2+$0x0], $0xffff;
	_ =	sdelay $0x3  }
0x41: {  	s23 =	sadd.s32 @p0 $0x20, s24;
	v1 =	vmul.f32 v3, v1  }
0x42: {  	s22 =	smov.u32 @p0 s23;
	v0 =	vmul.f32 v2, v0  }
0x43: {  	[tilespmem:s22+$0xFFFFFFF0] =	vst.add.f32.msk $0xffff, v1  }
0x44: {  	[tilespmem:s22+$0x0] =	vst.add.f32.msk $0xffff, v0  }
.LBB2_8:
0x45: {  	s20 =	sadd.s32 $0x1, s20  }
0x46: {  	p0 =	sne.s32 s20, s18  }
.Ltmp4:
0x47: {  	_ = 	snop;
	(pc) =	sbr.rel @!p0 .LBB2_9-.Ltmp4, $3  }
0x48: {  	_ =	sdelay $0x1  }
0x49: {  	s21 =	sshll.u32 s21, $0x5  }
0x4a: {  	s19 =	sadd.s32 s19, s21  }
.LBB2_2:
0x4b: {  	v0 =	vld [tilespmem:s20+$0x1FB01];
	_ =	sdelay $0x4  }
0x4c: {  	(v2sf) =	vpush v0, $0x0;
	_ =	sdelay $0xe  }
0x4d: {  	s21 =	spop (v2sf)  }
0x4e: {  	p0 =	slt.s32 s21, $0x1  }
.Ltmp5:
0x4f: {  	_ = 	snop;
	(pc) =	sbr.rel @p0 .LBB2_8-.Ltmp5, $1  }
0x50: {  	_ =	sdelay $0x3  }
0x51: {  	p1 =	sne.s32 s21, $0x1  }
.Ltmp6:
0x52: {  	_ = 	snop;
	(pc) =	sbr.rel @!p1 .LBB2_7-.Ltmp6, $4  }
0x53: {  	s22 =	sshll.u32 s19, $0x2  }
0x54: {  	s29 =	sadd.s32 $0xFFFFFFFF, s21;
	s22 =	sshra.s32 s22, $0x2  }
0x55: {  	p0 =	por $0x0, $0x0;
	s25 =	smov.u32 s19;
	s23 =	sadd.s32 $0xC410, s22  }
0x56: {  	s24 =	simm.s32 $0x1F490;
	s22 =	simm.s32 $0x1F490;
	s28 =	smov.u32 s23  }
0x57: {  	s24 =	sshrl.u32 s19, $0x1  }
0x58: {  	s24 =	sand.u32 $0x7FFFFFF0, s24  }
0x59: {  	v0 =	vld [tilespmem:s24+$0x18F00];
	_ =	sdelay $0x4  }
0x5a: {  	v1 =	vand.u32 $0xFFFF, v0  }
0x5b: {  	v0 =	vshrl.u32 v0, $0x10;
	_ =	sdelay $0x1  }
0x5c: {  	v2 =	vld [tilespmem:s23+$0x0]  }
0x5d: {  	v3 =	vld [tilespmem:s23+$0xFFFFFFF0]  }
0x5e: {  	v1 =	vld.idx.msk [tilespmem:v1+s2+$0x0], $0xffff  }
0x5f: {  	p1 =	sne.s32 s29, $0x1;
	v0 =	vld.idx.msk [tilespmem:v0+s2+$0x0], $0xffff  }
.Ltmp7:
0x60: {  	_ = 	snop;
	(pc) =	sbr.rel @!p1 .LBB2_5-.Ltmp7, $3  }
0x61: {  	_ =	sdelay $0x1  }
0x62: {  	s29 =	sadd.s32 $0xFFFFFFFF, s29;
	s25 =	sadd.s32 $0x20, s19;
	p0 =	por $0x1, $0x1;
	v1 =	vmul.f32 v3, v1  }
0x63: {  	s26 =	simm.s32 $0x1F490;
	s28 =	smov.u32 s23;
	s24 =	simm.s32 $0x1F490;
	v0 =	vmul.f32 v2, v0  }
.LBB2_6:
0x64: {  	s30 =	sshrl.u32 s25, $0x1;
	[tilespmem:s26+$0xFFFFFFF0] =	vst.add.f32.msk $0xffff, v1;
	s24 =	sadd.s32 $0x20, s24;
	s28 =	sadd.s32 $0x20, s28  }
0x65: {  	p1 =	sne.s32 s29, $0x1;
	s29 =	sadd.s32 $0xFFFFFFFF, s29;
	s30 =	sand.u32 $0x7FFFFFF0, s30;
	[tilespmem:s26+$0x0] =	vst.add.f32.msk $0xffff, v0  }
0x66: {  	s26 =	smov.u32 s24;
	v0 =	vld [tilespmem:s30+$0x18F00];
	_ =	sdelay $0x4  }
0x67: {  	v1 =	vshrl.u32 v0, $0x10;
	v0 =	vand.u32 $0xFFFF, v0;
	_ =	sdelay $0x2  }
0x68: {  	v2 =	vld [tilespmem:s28+$0x0]  }
0x69: {  	v3 =	vld [tilespmem:s28+$0xFFFFFFF0]  }
0x6a: {  	v0 =	vld.idx.msk [tilespmem:v0+s2+$0x0], $0xffff  }
0x6b: {  	v4 =	vld.idx.msk [tilespmem:v1+s2+$0x0], $0xffff;
	_ =	sdelay $0x1  }
.Ltmp8:
0x6c: {  	(pc) =	sbr.rel @p1 .LBB2_6-.Ltmp8, $3  }
0x6d: {  	_ =	sdelay $0x1  }
0x6e: {  	v1 =	vmul.f32 v3, v0  }
0x6f: {  	s25 =	sadd.s32 $0x20, s25;
	v0 =	vmul.f32 v2, v4  }
.Ltmp9:
0x70: {  	_ = 	snop;
	(pc) =	sbr.rel .LBB2_7-.Ltmp9, $1  }
0x71: {  	_ =	sdelay $0x3  }
.LBB2_10:
0x72: {  	_ =	sfence.sel $0x180000  }
0x73: {  	[bflag:$0x0] =	sbarrier.arrive $0xFFFF  }
0x74: {  	p0 =	sne.s32 s0, $0x0;
	_ =	strace $0x9000005C  }
0x75: {  	s0 =	sadd.s32 @!p0 $0x100000, s1;
	[bflag:$0x2] =	sbarrier.arrive $0xFFFF  }
0x76: {  	[sflag:s0] =	ssyncadd.tile.s32 @!p0 $0x1;
	_ =	shalt  }
.Lfunc_end2:
_tile_overlayer_lowered:
.L_overlay_start_2:
0x77: {  	(tag) =	ssettag $0x2  }
0x78: {  	s0 =	rddreg [dreg:$0x0];
	s2 =	stileid.u32  }
0x79: {  	s1 =	rddreg [dreg:$0x1];
	p0 =	sne.s32 s2, $0x0  }
0x7a: {  	s3 =	rddreg [dreg:$0x2];
	[bflag:$0x3] =	sbarrier.arrive $0xFFFF;
	s2 =	simm.s32 @!p0 $0x1C01  }
0x7b: {  	[timem:s3], [sflag:s2] =	dma.local @!p0 [hbm:s0], s1  }
0x7c: {  	s0 =	simm.s32 @!p0 $0x1  }
0x7d: {  	_ =	swait.ge @!p0 [sflag:s0], s1  }
0x7e: {  	s1 =	ssub.s32 @!p0 $0x0, s1;
	[sflag:s0] =	ssyncset.done @!p0 $0x0  }
0x7f: {  	[sflag:s0] =	ssyncadd.s32 @!p0 s1  }
0x80: {  	[bflag:$0x3] =	sbarrier.arrive $0xFFFF  }
0x81: {  	_ =	shalt  }

// kernel: gather_offload_async_start.1
scs
__scs_entry_jumppad:
0x0: {  	(pc) =	sbr.rel $0x88, $3  }
0x1: {  	(tag) =	ssettag $0x0;
	lr =	simm.s32 $0x1  }
0x2: {  	[smem:$0x3F9A] =	sst lr;
	_ =	strace $0xD0000000  }
0x3: {  	_ = 	snop  }
0x4: {  	_ = 	snop  }
0x5: {  	_ = 	snop  }
0x6: {  	_ = 	snop  }
0x7: {  	_ = 	snop  }
__scs_overlays_trampoline_lowered:
0x8: {  	[smem:$0x3FA9] =	sst s0  }
0x9: {  	[smem:$0x3FAA] =	sst s1  }
0xa: {  	[smem:$0x3FAB] =	sst s2  }
0xb: {  	[smem:$0x3FAC] =	sst s3  }
0xc: {  	[smem:$0x3FAD] =	sst s4  }
0xd: {  	[smem:$0x3FAE] =	sst s5  }
0xe: {  	[smem:$0x3FAF] =	sst s6  }
0xf: {  	[smem:$0x3FB0] =	sst s7  }
0x10: {  	[smem:$0x3FB1] =	sst s8  }
0x11: {  	[smem:$0x3FB2] =	sst s9;
	s0 =	simm.s32 @!p0 $0x0  }
0x12: {  	s1 =	sld [smem:$0x3F98];
	s0 =	simm.s32 @p0 $0x1  }
0x13: {  	[smem:$0x3FB3] =	sst s0;
	s0 =	simm.s32 @!p1 $0x0  }
0x14: {  	s2 =	sld [smem:$0x3F97];
	s0 =	simm.s32 @p1 $0x1  }
0x15: {  	[smem:$0x3FB4] =	sst s0;
	s0 =	simm.s32 @!p2 $0x0  }
0x16: {  	s3 =	sld [smem:$0x3FDB];
	s0 =	simm.s32 @p2 $0x1  }
0x17: {  	s4 =	simm.s32 $0x1BF5;
	[smem:$0x3FB6] =	sst s0  }
0x18: {  	s0 =	sld [smem:$0x3F99];
	_ =	swait.ge [sflag:s4], $0x0  }
0x19: {  	s7 =	sld [smem:$0x3F9A]  }
0x1a: {  	s8 =	sadd.s32 $0xFFFFE003, lr  }
0x1b: {  	s9 =	sadd.s32 $0xFFFFFEF7, lr;
	s5 =	simm.s32 $0xFFFFFFFF;
	p2 =	slt.u32 s8, $0xFFFFF086  }
0x1c: {  	p1 =	slt.u32 s9, $0xF7A;
	s5 =	simm.s32 @!p2 $0x0  }
0x1d: {  	s5 =	simm.s32 @p1 $0x1;
	p0 =	seq.s32 s7, s2  }
0x1e: {  	s7 =	smul.u32 @!p0 $0xF7A, s2;
	p2 =	seq.s32 @!p0 s5, $0x0  }
0x1f: {  	s9 =	smul.u32 $0xF7A, s1;
	s8 =	simm.s32 @!p0 $0x1BF5;
	p2 =	por !p2, p0  }
0x20: {  	[sflag:s8] =	ssyncset.s32 @!p0 $0xFFFFF086;
	s6 =	sadd.s32 @!p0 s3, s7;
	s7 =	simm.s32 @!p0 $0x108  }
0x21: {  	s3 =	sadd.s32 s3, s9;
	s6 =	sadd.s32 @!p0 $0x88, s6;
	s7 =	simm.s32 @p2 $0x1082  }
0x22: {  	[simem:s7], [sflag:s8] =	dma.local @!p0 [hbm:s6], $0xF7A  }
0x23: {  	s9 =	sor.u32 $0xD0000000, s2;
	s6 =	simm.s32 $0x108;
	_ =	swait.ge @!p0 [sflag:s8], $0x0  }
0x24: {  	s3 =	sadd.s32 $0x88, s3;
	s6 =	simm.s32 @!p1 $0x1082;
	[sflag:s4] =	ssyncset.s32 $0xFFFFF086  }
0x25: {  	[simem:s6], [sflag:s4] =	dma.local [hbm:s3], $0xF7A  }
0x26: {  	[smem:$0x3F9A] =	sst s1;
	(tag) =	ssettag s2;
	_ =	strace s9  }
0x27: {  	s1 =	sld [smem:$0x3FAA]  }
0x28: {  	s2 =	sld [smem:$0x3FAB]  }
0x29: {  	s4 =	sld [smem:$0x3FAD]  }
0x2a: {  	p0 =	seq.s32 s5, $0x0;
	s5 =	sld [smem:$0x3FAE]  }
0x2b: {  	s6 =	sld [smem:$0x3FAF]  }
0x2c: {  	s7 =	sld [smem:$0x3FB0]  }
0x2d: {  	s3 =	simm.s32 $0x108;
	s8 =	sld [smem:$0x3FB1]  }
0x2e: {  	s3 =	simm.s32 @!p0 $0x1082;
	s9 =	sld [smem:$0x3FB2]  }
0x2f: {  	lr =	sadd.s32 s0, s3;
	s0 =	sld [smem:$0x3FA9]  }
0x30: {  	s3 =	sld [smem:$0x3FAC]  }
0x31: {  	[smem:$0x3FB5] =	sst s10  }
0x32: {  	s10 =	sld [smem:$0x3FB3];
	_ =	sdelay $0x3  }
0x33: {  	p0 =	seq.s32 s10, $0x1;
	s10 =	sld [smem:$0x3FB5];
	_ =	sdelay $0x3  }
0x34: {  	[smem:$0x3FB5] =	sst s10  }
0x35: {  	s10 =	sld [smem:$0x3FB4];
	_ =	sdelay $0x3  }
0x36: {  	p1 =	seq.s32 s10, $0x1;
	s10 =	sld [smem:$0x3FB5];
	_ =	sdelay $0x3  }
0x37: {  	[smem:$0x3FB5] =	sst s10  }
0x38: {  	s10 =	sld [smem:$0x3FB6]  }
0x39: {  	_ = 	snop;
	(pc) =	sbr.ind lr, $3  }
0x3a: {  	_ = 	snop  }
0x3b: {  	_ = 	snop  }
0x3c: {  	p2 =	seq.s32 s10, $0x1;
	s10 =	sld [smem:$0x3FB5]  }
0x3d: {  	_ =	shalt  }
0x3e: {  	_ =	shalt  }
0x3f: {  	_ =	shalt  }
0x40: {  	_ =	shalt  }
0x41: {  	_ =	shalt  }
0x42: {  	_ =	shalt  }
0x43: {  	_ =	shalt  }
0x44: {  	_ =	shalt  }
0x45: {  	_ =	shalt  }
0x46: {  	_ =	shalt  }
0x47: {  	_ =	shalt  }
0x48: {  	_ =	shalt  }
0x49: {  	_ =	shalt  }
0x4a: {  	_ =	shalt  }
0x4b: {  	_ =	shalt  }
0x4c: {  	_ =	shalt  }
0x4d: {  	_ =	shalt  }
0x4e: {  	_ =	shalt  }
0x4f: {  	_ =	shalt  }
0x50: {  	_ =	shalt  }
0x51: {  	_ =	shalt  }
0x52: {  	_ =	shalt  }
0x53: {  	_ =	shalt  }
0x54: {  	_ =	shalt  }
0x55: {  	_ =	shalt  }
0x56: {  	_ =	shalt  }
0x57: {  	_ =	shalt  }
0x58: {  	_ =	shalt  }
0x59: {  	_ =	shalt  }
0x5a: {  	_ =	shalt  }
0x5b: {  	_ =	shalt  }
0x5c: {  	_ =	shalt  }
0x5d: {  	_ =	shalt  }
0x5e: {  	_ =	shalt  }
0x5f: {  	_ =	shalt  }
0x60: {  	_ =	shalt  }
0x61: {  	_ =	shalt  }
0x62: {  	_ =	shalt  }
0x63: {  	_ =	shalt  }
0x64: {  	_ =	shalt  }
0x65: {  	_ =	shalt  }
0x66: {  	_ =	shalt  }
0x67: {  	_ =	shalt  }
0x68: {  	_ =	shalt  }
0x69: {  	_ =	shalt  }
0x6a: {  	_ =	shalt  }
0x6b: {  	_ =	shalt  }
0x6c: {  	_ =	shalt  }
0x6d: {  	_ =	shalt  }
0x6e: {  	_ =	shalt  }
0x6f: {  	_ =	shalt  }
0x70: {  	_ =	shalt  }
0x71: {  	_ =	shalt  }
0x72: {  	_ =	shalt  }
0x73: {  	_ =	shalt  }
0x74: {  	_ =	shalt  }
0x75: {  	_ =	shalt  }
0x76: {  	_ =	shalt  }
0x77: {  	_ =	shalt  }
0x78: {  	_ =	shalt  }
0x79: {  	_ =	shalt  }
0x7a: {  	_ =	shalt  }
0x7b: {  	_ =	shalt  }
0x7c: {  	_ =	shalt  }
0x7d: {  	_ =	shalt  }
0x7e: {  	_ =	shalt  }
0x7f: {  	_ =	shalt  }
0x80: {  	_ =	shalt  }
0x81: {  	_ =	shalt  }
0x82: {  	_ =	shalt  }
0x83: {  	_ =	shalt  }
0x84: {  	_ =	shalt  }
0x85: {  	_ =	shalt  }
0x86: {  	_ =	shalt  }
0x87: {  	_ =	shalt  }
.Lfunc_end0:
.L_simem_size_0:
called_computation.4_lowered:
.L_overlay_start_0:
0x88: {  	s2 =	sld [smem:$0x3FD9]  }
0x89: {  	s3 =	sld [smem:$0x3FFE];
	_ =	sdelay $0x1  }
0x8a: {  	s1 =	srdreg.scid  }
0x8b: {  	s0 =	sand.u32 $0x1, s1  }
0x8c: {  	s16 =	sshll.u32 s0, $0xA;
	s2 =	sadd.s32 s3, s2  }
0x8d: {  	s2 =	sadd.s32 s2, s16  }
0x8e: {  	[smem:$0x3FC1] =	sst s2  }
0x8f: {  	_ = 	snop  }
0x90: {  	(tm) =	ssettm $0x1  }
0x91: {  	s17 =	sld [smem:$0x3FFB];
	_ =	sdelay $0x3  }
0x92: {  	_ =	strace s17  }
0x93: {  	s2 =	sld [smem:$0x3FFC];
	_ =	sdelay $0x3  }
0x94: {  	_ =	strace s2  }
0x95: {  	s2 =	sld [smem:$0x3FFD];
	_ =	sdelay $0x3  }
0x96: {  	_ =	strace s2  }
0x97: {  	_ =	strace $0x8FFFFFFF  }
0x98: {  	s18 =	sld [smem:$0x3FDB];
	_ =	sdelay $0x1  }
0x99: {  	s19 =	simm.s32 $_scs_section_size  }
0x9a: {  	s4 =	simm.s32 $_size__tile_overlayer_lowered;
	s5 =	simm.s32 $_tile_overlayer_lowered  }
0x9b: {  	s22 =	simm.s32 $0x1BFF;
	s21 =	sshll.u32 s5, $0x1;
	s2 =	sadd.s32 s19, s18  }
0x9c: {  	s6 =	simm.s32 $0x0;
	s20 =	sshll.u32 s4, $0x1;
	s4 =	sadd.s32 s21, s2  }
0x9d: {  	[timem:s6], [sflag:s22] =	dma.local [hbm:s4], s20  }
0x9e: {  	_ =	swait.ge [sflag:s22], s20  }
0x9f: {  	s3 =	ssub.s32 $0x0, s20;
	[sflag:s22] =	ssyncset.done $0x0  }
0xa0: {  	[sflag:s22] =	ssyncadd.s32 s3;
	_ =	sdelay $0x1  }
0xa1: {  	s23 =	simm.s32 $0x1B8B  }
0xa2: {  	_ =	swait.ge [sflag:s23], $0x1  }
0xa3: {  	[sflag:s23] =	ssyncset.done $0x0  }
0xa4: {  	s25 =	simm.s32 $0x1B8E;
	s24 =	sld [smem:$0x3FFE];
	[sflag:s23] =	ssyncadd.s32 $0xFFFFFFFF  }
0xa5: {  	s26 =	simm.s32 $execute0_lowered;
	[smem:$0x3FD2] =	sst s25  }
0xa6: {  	s4 =	sshll.u32 s26, $0x1;
	_ =	strace $0x80000058;
	[dreg:$0x1] =	wrdreg $0xFFFFFFFF  }
0xa7: {  	s28 =	simm.s32 $_size_execute0_lowered;
	s2 =	sadd.s32 s2, s4;
	[dreg:$0x0] =	wrdreg $0x0  }
0xa8: {  	s4 =	sshll.u32 s28, $0x1;
	[dreg:$0x2] =	wrdreg s2  }
0xa9: {  	[dreg:$0x3] =	wrdreg s4  }
0xaa: {  	[dreg:$0x4] =	wrdreg $0xC0  }
0xab: {  	_ =	task [dreg:s6], $0x5FFFF  }
0xac: {  	[dreg:$0x1] =	wrdreg $0xFFFFFFFF  }
0xad: {  	[dreg:$0x0] =	wrdreg $0x60  }
0xae: {  	[dreg:$0x2] =	wrdreg s24  }
0xaf: {  	[dreg:$0x3] =	wrdreg $0x9  }
0xb0: {  	_ =	task.clear_ibuf [dreg:s6], $0x4FFFF;
	_ =	strace $0x90000058  }
0xb1: {  	s29 =	simm.s32 $0x9;
	_ =	strace $0x8000005A  }
0xb2: {  	_ =	swait.ge [sflag:s29], $0x1  }
0xb3: {  	[sflag:s29] =	ssyncadd.s32 $0xFFFFFFFF  }
0xb4: {  	_ =	strace $0x9000005A  }
0xb5: {  	_ =	sfence  }
0xb6: {  	s30 =	sld [smem:$0x0];
	_ =	sdelay $0x2  }
0xb7: {  	s31 =	sshll.u32 s1, $0xD;
	s1 =	sshrl.u32 s1, $0x2  }
0xb8: {  	s3 =	sand.u32 $0x4000, s31;
	s1 =	sadd.s32 s1, s30  }
0xb9: {  	s0 =	sor.u32 s3, s0;
	s1 =	sshll.u32 s1, $0x11  }
0xba: {  	s0 =	sor.u32 s1, s0  }
0xbb: {  	s0 =	sadd.s32 $0x8F2B, s0  }
0xbc: {  	[sflag:s0] =	ssyncadd.remote.s32 $0x1  }
0xbd: {  	_ =	sfence.sel $0xFFFF  }
0xbe: {  	[dreg:$0x0] =	wrdreg $0xFFFFFFFF;
	(pc) =	sbr.abs _section_cstart, $3  }
0xbf: {  	[dreg:$0x1] =	wrdreg $0xFFFFFFFF  }
0xc0: {  	_ =	task.clear_ibuf [dreg:s6], $0x2FFFF;
	_ =	strace $0x9FFFFFFF  }
0xc1: {  	(tm) =	ssettm $0x7FFFFFFF  }
tec
execute0_lowered:
.L_overlay_start_1:
0x0: {  	(tag) =	ssettag $0x1  }
0x1: {  	s2 =	rddreg [dreg:$0x0]  }
0x2: {  	s0 =	rddreg [dreg:$0x1];
	s1 =	stileid.u32  }
0x3: {  	s3 =	srdreg.scid;
	_ =	strace $0x80000059;
	s4 =	simm.s32 $0x1  }
0x4: {  	s7 =	simm.s32 $0x1;
	s8 =	simm.s32 $0x1;
	s9 =	simm.s32 $0x3  }
0x5: {  	s10 =	simm.s32 $0x0;
	s5 =	sand.u32 $0x1, s3;
	s6 =	sshll.u32 s1, $0x1  }
0x6: {  	s13 =	simm.s32 $0x0;
	s12 =	simm.s32 $0x0;
	s5 =	sor.u32 s6, s5  }
.Ltmp0:
0x7: {  	[sflag:s4] =	ssyncpa.u1 $0x0;
	p0 =	slt.u32 s5, $0x19;
	(pc) =	sbr.rel .LBB2_1-.Ltmp0, $4  }
0x8: {  	s6 =	simm.s32 $0x2;
	s7 =	simm.s32 @!p0 $0x0;
	p0 =	sne.s32 s5, $0x18  }
0x9: {  	[sflag:s6] =	ssyncpa.u1 $0x0;
	s5 =	smul.u32 $0x380, s5;
	s8 =	simm.s32 @!p0 $0x0  }
0xa: {  	s3 =	sadd.s32 $0x7D000, s2;
	[sflag:s9] =	ssyncpa.u1 $0x0;
	s7 =	sadd.s32 s8, s7  }
0xb: {  	vm0 =	vmmov $0xffff;
	s8 =	sadd.s32 $0x7EA00, s2;
	s11 =	smov.u32 s5;
	s9 =	sadd.s32 $0x1, s7  }
.LBB2_4:
0xc: {  	v2 =	vnsel vm1, $0x0, v2  }
0xd: {  	vm1 =	vgt.s32 v0, $0x0;
	v2 =	vmin.u32 v2, $0xC3FF  }
0xe: {  	v0 =	vnsel vm1, $0x0, v0  }
0xf: {  	v0 =	vmin.u32 v0, $0xC3FF  }
0x10: {  	[tilespmem:s18], [sflag:$0x1] =	stream.indirect_vreg.gather [hbm4b:s3+s10], $0x1, v1, vm0, $0x4038;
	[tilespmem:$0xE00] =	vst v63  }
0x11: {  	(ifvalue) =	ssetifvalue $0x7FFFFFFF  }
0x12: {  	[tilespmem:s15], [sflag:$0x1] =	stream.indirect_vreg.gather [hbm4b:s3+s10], $0x1, v2, vm0, $0x4038;
	[tilespmem:$0xE00] =	vst v63  }
0x13: {  	s29 =	sadd.s32 $0x10, s15;
	(ifvalue) =	ssetifvalue $0x7FFFFFFF  }
0x14: {  	[tilespmem:s29], [sflag:$0x1] =	stream.indirect_vreg.gather [hbm4b:s3+s10], $0x1, v0, vm0, $0x4038;
	[tilespmem:$0xE00] =	vst v63  }
0x15: {  	_ =	swait.ge [sflag:s4], $0x380  }
0x16: {  	s30 =	sshrl.u32 s13, $0x3;
	[sflag:s4] =	ssyncset.done $0x0  }
0x17: {  	s31 =	sand.u32 $0x7, s13;
	s15 =	sadd.s32 s8, s30;
	[sflag:s4] =	ssyncadd.s32 $0xFFFFFC80  }
0x18: {  	[hbm4b:s15+s31] =	stream.linear.scatter [tilespmem:s14], [sflag:$0x3], $0x380, $0x38;
	[tilespmem:$0xE00] =	vst v63  }
.LBB2_5:
0x19: {  	s15 =	sadd.s32 $0x7000, s11  }
0x1a: {  	p1 =	sgt.s32 s15, $0xC3FF  }
0x1b: {  	s15 =	smov.u32 @p1 s5;
	p1 =	sne.s32 s12, s9  }
.Ltmp1:
0x1c: {  	p0 =	slt.u32 s12, $0x2;
	(pc) =	sbr.rel @!p1 .LBB2_6-.Ltmp1, $4  }
0x1d: {  	s14 =	simm.s32 @!p0 $0x3  }
0x1e: {  	_ =	swait.ge @!p0 [sflag:s14], $0x380  }
0x1f: {  	s16 =	sadd.s32 $0x1, s12;
	s13 =	smov.u32 s11;
	[sflag:s14] =	ssyncset.done @!p0 $0x0  }
0x20: {  	s12 =	smov.u32 s16;
	s11 =	smov.u32 s15;
	[sflag:s14] =	ssyncadd.s32 @!p0 $0xFFFFFC80  }
.LBB2_1:
0x21: {  	p0 =	sge.u32 s12, s7  }
0x22: {  	s14 =	sxor.u32 @!p0 $0x1, s12  }
0x23: {  	s14 =	smul.u32 @!p0 $0xE00, s14  }
0x24: {  	s31 =	sadd.s32 $0xFFFFFFFF, s12;
	s15 =	sshrl.u32 @!p0 s11, $0x3  }
0x25: {  	s16 =	sand.u32 @!p0 $0x7, s11;
	s15 =	sadd.s32 @!p0 s2, s15;
	s14 =	sshra.s32 @!p0 s14, $0x2  }
0x26: {  	[tilespmem:s14], [sflag:$0x2] =	stream.linear.gather @!p0 [hbm4b:s15+s16], $0x380, $0x38;
	[tilespmem:$0xE00] =	vst v63  }
0x27: {  	p0 =	sge.u32 s31, s7  }
.Ltmp2:
0x28: {  	_ = 	snop;
	(pc) =	sbr.rel @p0 .LBB2_5-.Ltmp2, $1  }
0x29: {  	_ =	sdelay $0x3  }
0x2a: {  	s14 =	sand.u32 $0x1, s12  }
0x2b: {  	_ =	swait.ge [sflag:s6], $0x380;
	p0 =	seq.s32 s14, $0x1;
	s14 =	simm.s32 $0x380  }
0x2c: {  	[sflag:s6] =	ssyncset.done $0x0;
	s14 =	simm.s32 @!p0 $0x0  }
0x2d: {  	[sflag:s6] =	ssyncadd.s32 $0xFFFFFC80;
	(ifvalue) =	ssetifvalue $0x7FFFFFFF;
	v0 =	vld.msk [tilespmem:s14+$0x0 ss:$0x1], $0xffff;
	_ =	sdelay $0x4  }
0x2e: {  	s15 =	sadd.s32 $0x10, s14;
	vm1 =	vgt.s32 v0, $0x0  }
0x2f: {  	v2 =	vld.msk [tilespmem:s15+$0x0 ss:$0x1], $0xffff;
	v1 =	vnsel vm1, $0x0, v0  }
0x30: {  	v1 =	vmin.u32 v1, $0xC3FF;
	_ =	sdelay $0x2  }
0x31: {  	s17 =	simm.s32 $0x20;
	s14 =	sadd.s32 $0x700, s14;
	s16 =	sadd.s32 $0x10, s15  }
0x32: {  	s15 =	sadd.s32 $0x10, s14;
	s18 =	smov.u32 s14;
	v0 =	vld.msk [tilespmem:s16+$0x0 ss:$0x1], $0xffff;
	vm1 =	vgt.s32 v2, $0x0;
	(ifvalue) =	ssetifvalue $0x7FFFFFFF  }
.LBB2_3:
0x33: {  	[tilespmem:s18], [sflag:$0x1] =	stream.indirect_vreg.gather [hbm4b:s3+s10], $0x1, v1, vm0, $0x4038;
	[tilespmem:$0xE00] =	vst v63  }
0x34: {  	s17 =	sadd.s32 $0x10, s17  }
0x35: {  	v2 =	vnsel vm1, $0x0, v2;
	p0 =	slt.u32 s17, $0x370  }
.Ltmp3:
0x36: {  	s18 =	smov.u32 s15;
	v1 =	vmin.u32 v2, $0xC3FF;
	(pc) =	sbr.rel @p0 .LBB2_3-.Ltmp3, $3  }
0x37: {  	_ =	sdelay $0x1  }
0x38: {  	s16 =	sadd.s32 $0x10, s16  }
0x39: {  	vm1 =	vgt.s32 v0, $0x0;
	s15 =	sadd.s32 $0x10, s15;
	v2 =	vmov v0;
	(ifvalue) =	ssetifvalue $0x7FFFFFFF;
	v0 =	vld.msk [tilespmem:s16+$0x0 ss:$0x1], $0xffff  }
.Ltmp4:
0x3a: {  	_ = 	snop;
	(pc) =	sbr.rel .LBB2_4-.Ltmp4, $1  }
0x3b: {  	_ =	sdelay $0x3  }
.LBB2_6:
0x3c: {  	_ =	sfence.sel $0x180000  }
0x3d: {  	s2 =	simm.s32 $0x2;
	[bflag:$0x0] =	sbarrier.arrive $0xFFFF  }
0x3e: {  	s30 =	simm.s32 $0x3;
	[sflag:s2] =	ssyncpa.u1 $0x1  }
0x3f: {  	s31 =	simm.s32 $0x1;
	[sflag:s30] =	ssyncpa.u1 $0x1  }
0x40: {  	[sflag:s31] =	ssyncpa.u1 $0x1  }
0x41: {  	p0 =	sne.s32 s1, $0x0;
	_ =	strace $0x90000059  }
0x42: {  	s0 =	sadd.s32 @!p0 $0x100000, s0;
	[bflag:$0x2] =	sbarrier.arrive $0xFFFF  }
0x43: {  	[sflag:s0] =	ssyncadd.tile.s32 @!p0 $0x1;
	_ =	shalt  }
.Lfunc_end2:
_tile_overlayer_lowered:
.L_overlay_start_2:
0x44: {  	(tag) =	ssettag $0x2  }
0x45: {  	s0 =	rddreg [dreg:$0x0];
	s2 =	stileid.u32  }
0x46: {  	s1 =	rddreg [dreg:$0x1];
	p0 =	sne.s32 s2, $0x0  }
0x47: {  	s3 =	rddreg [dreg:$0x2];
	[bflag:$0x3] =	sbarrier.arrive $0xFFFF;
	s2 =	simm.s32 @!p0 $0x1C01  }
0x48: {  	[timem:s3], [sflag:s2] =	dma.local @!p0 [hbm:s0], s1  }
0x49: {  	s0 =	simm.s32 @!p0 $0x1  }
0x4a: {  	_ =	swait.ge @!p0 [sflag:s0], s1  }
0x4b: {  	s1 =	ssub.s32 @!p0 $0x0, s1;
	[sflag:s0] =	ssyncset.done @!p0 $0x0  }
0x4c: {  	[sflag:s0] =	ssyncadd.s32 @!p0 s1  }
0x4d: {  	[bflag:$0x3] =	sbarrier.arrive $0xFFFF  }
0x4e: {  	_ =	shalt  }

// kernel: gather_offload_async_start.2
scs
__scs_entry_jumppad:
0x0: {  	(pc) =	sbr.rel $0x88, $3  }
0x1: {  	(tag) =	ssettag $0x0;
	lr =	simm.s32 $0x1  }
0x2: {  	[smem:$0x3F9A] =	sst lr;
	_ =	strace $0xD0000000  }
0x3: {  	_ = 	snop  }
0x4: {  	_ = 	snop  }
0x5: {  	_ = 	snop  }
0x6: {  	_ = 	snop  }
0x7: {  	_ = 	snop  }
__scs_overlays_trampoline_lowered:
0x8: {  	[smem:$0x3FA9] =	sst s0  }
0x9: {  	[smem:$0x3FAA] =	sst s1  }
0xa: {  	[smem:$0x3FAB] =	sst s2  }
0xb: {  	[smem:$0x3FAC] =	sst s3  }
0xc: {  	[smem:$0x3FAD] =	sst s4  }
0xd: {  	[smem:$0x3FAE] =	sst s5  }
0xe: {  	[smem:$0x3FAF] =	sst s6  }
0xf: {  	[smem:$0x3FB0] =	sst s7  }
0x10: {  	[smem:$0x3FB1] =	sst s8  }
0x11: {  	[smem:$0x3FB2] =	sst s9;
	s0 =	simm.s32 @!p0 $0x0  }
0x12: {  	s1 =	sld [smem:$0x3F98];
	s0 =	simm.s32 @p0 $0x1  }
0x13: {  	[smem:$0x3FB3] =	sst s0;
	s0 =	simm.s32 @!p1 $0x0  }
0x14: {  	s2 =	sld [smem:$0x3F97];
	s0 =	simm.s32 @p1 $0x1  }
0x15: {  	[smem:$0x3FB4] =	sst s0;
	s0 =	simm.s32 @!p2 $0x0  }
0x16: {  	s3 =	sld [smem:$0x3FDB];
	s0 =	simm.s32 @p2 $0x1  }
0x17: {  	s4 =	simm.s32 $0x1BF5;
	[smem:$0x3FB6] =	sst s0  }
0x18: {  	s0 =	sld [smem:$0x3F99];
	_ =	swait.ge [sflag:s4], $0x0  }
0x19: {  	s7 =	sld [smem:$0x3F9A]  }
0x1a: {  	s8 =	sadd.s32 $0xFFFFE003, lr  }
0x1b: {  	s9 =	sadd.s32 $0xFFFFFEF7, lr;
	s5 =	simm.s32 $0xFFFFFFFF;
	p2 =	slt.u32 s8, $0xFFFFF086  }
0x1c: {  	p1 =	slt.u32 s9, $0xF7A;
	s5 =	simm.s32 @!p2 $0x0  }
0x1d: {  	s5 =	simm.s32 @p1 $0x1;
	p0 =	seq.s32 s7, s2  }
0x1e: {  	s7 =	smul.u32 @!p0 $0xF7A, s2;
	p2 =	seq.s32 @!p0 s5, $0x0  }
0x1f: {  	s9 =	smul.u32 $0xF7A, s1;
	s8 =	simm.s32 @!p0 $0x1BF5;
	p2 =	por !p2, p0  }
0x20: {  	[sflag:s8] =	ssyncset.s32 @!p0 $0xFFFFF086;
	s6 =	sadd.s32 @!p0 s3, s7;
	s7 =	simm.s32 @!p0 $0x108  }
0x21: {  	s3 =	sadd.s32 s3, s9;
	s6 =	sadd.s32 @!p0 $0x88, s6;
	s7 =	simm.s32 @p2 $0x1082  }
0x22: {  	[simem:s7], [sflag:s8] =	dma.local @!p0 [hbm:s6], $0xF7A  }
0x23: {  	s9 =	sor.u32 $0xD0000000, s2;
	s6 =	simm.s32 $0x108;
	_ =	swait.ge @!p0 [sflag:s8], $0x0  }
0x24: {  	s3 =	sadd.s32 $0x88, s3;
	s6 =	simm.s32 @!p1 $0x1082;
	[sflag:s4] =	ssyncset.s32 $0xFFFFF086  }
0x25: {  	[simem:s6], [sflag:s4] =	dma.local [hbm:s3], $0xF7A  }
0x26: {  	[smem:$0x3F9A] =	sst s1;
	(tag) =	ssettag s2;
	_ =	strace s9  }
0x27: {  	s1 =	sld [smem:$0x3FAA]  }
0x28: {  	s2 =	sld [smem:$0x3FAB]  }
0x29: {  	s4 =	sld [smem:$0x3FAD]  }
0x2a: {  	p0 =	seq.s32 s5, $0x0;
	s5 =	sld [smem:$0x3FAE]  }
0x2b: {  	s6 =	sld [smem:$0x3FAF]  }
0x2c: {  	s7 =	sld [smem:$0x3FB0]  }
0x2d: {  	s3 =	simm.s32 $0x108;
	s8 =	sld [smem:$0x3FB1]  }
0x2e: {  	s3 =	simm.s32 @!p0 $0x1082;
	s9 =	sld [smem:$0x3FB2]  }
0x2f: {  	lr =	sadd.s32 s0, s3;
	s0 =	sld [smem:$0x3FA9]  }
0x30: {  	s3 =	sld [smem:$0x3FAC]  }
0x31: {  	[smem:$0x3FB5] =	sst s10  }
0x32: {  	s10 =	sld [smem:$0x3FB3];
	_ =	sdelay $0x3  }
0x33: {  	p0 =	seq.s32 s10, $0x1;
	s10 =	sld [smem:$0x3FB5];
	_ =	sdelay $0x3  }
0x34: {  	[smem:$0x3FB5] =	sst s10  }
0x35: {  	s10 =	sld [smem:$0x3FB4];
	_ =	sdelay $0x3  }
0x36: {  	p1 =	seq.s32 s10, $0x1;
	s10 =	sld [smem:$0x3FB5];
	_ =	sdelay $0x3  }
0x37: {  	[smem:$0x3FB5] =	sst s10  }
0x38: {  	s10 =	sld [smem:$0x3FB6]  }
0x39: {  	_ = 	snop;
	(pc) =	sbr.ind lr, $3  }
0x3a: {  	_ = 	snop  }
0x3b: {  	_ = 	snop  }
0x3c: {  	p2 =	seq.s32 s10, $0x1;
	s10 =	sld [smem:$0x3FB5]  }
0x3d: {  	_ =	shalt  }
0x3e: {  	_ =	shalt  }
0x3f: {  	_ =	shalt  }
0x40: {  	_ =	shalt  }
0x41: {  	_ =	shalt  }
0x42: {  	_ =	shalt  }
0x43: {  	_ =	shalt  }
0x44: {  	_ =	shalt  }
0x45: {  	_ =	shalt  }
0x46: {  	_ =	shalt  }
0x47: {  	_ =	shalt  }
0x48: {  	_ =	shalt  }
0x49: {  	_ =	shalt  }
0x4a: {  	_ =	shalt  }
0x4b: {  	_ =	shalt  }
0x4c: {  	_ =	shalt  }
0x4d: {  	_ =	shalt  }
0x4e: {  	_ =	shalt  }
0x4f: {  	_ =	shalt  }
0x50: {  	_ =	shalt  }
0x51: {  	_ =	shalt  }
0x52: {  	_ =	shalt  }
0x53: {  	_ =	shalt  }
0x54: {  	_ =	shalt  }
0x55: {  	_ =	shalt  }
0x56: {  	_ =	shalt  }
0x57: {  	_ =	shalt  }
0x58: {  	_ =	shalt  }
0x59: {  	_ =	shalt  }
0x5a: {  	_ =	shalt  }
0x5b: {  	_ =	shalt  }
0x5c: {  	_ =	shalt  }
0x5d: {  	_ =	shalt  }
0x5e: {  	_ =	shalt  }
0x5f: {  	_ =	shalt  }
0x60: {  	_ =	shalt  }
0x61: {  	_ =	shalt  }
0x62: {  	_ =	shalt  }
0x63: {  	_ =	shalt  }
0x64: {  	_ =	shalt  }
0x65: {  	_ =	shalt  }
0x66: {  	_ =	shalt  }
0x67: {  	_ =	shalt  }
0x68: {  	_ =	shalt  }
0x69: {  	_ =	shalt  }
0x6a: {  	_ =	shalt  }
0x6b: {  	_ =	shalt  }
0x6c: {  	_ =	shalt  }
0x6d: {  	_ =	shalt  }
0x6e: {  	_ =	shalt  }
0x6f: {  	_ =	shalt  }
0x70: {  	_ =	shalt  }
0x71: {  	_ =	shalt  }
0x72: {  	_ =	shalt  }
0x73: {  	_ =	shalt  }
0x74: {  	_ =	shalt  }
0x75: {  	_ =	shalt  }
0x76: {  	_ =	shalt  }
0x77: {  	_ =	shalt  }
0x78: {  	_ =	shalt  }
0x79: {  	_ =	shalt  }
0x7a: {  	_ =	shalt  }
0x7b: {  	_ =	shalt  }
0x7c: {  	_ =	shalt  }
0x7d: {  	_ =	shalt  }
0x7e: {  	_ =	shalt  }
0x7f: {  	_ =	shalt  }
0x80: {  	_ =	shalt  }
0x81: {  	_ =	shalt  }
0x82: {  	_ =	shalt  }
0x83: {  	_ =	shalt  }
0x84: {  	_ =	shalt  }
0x85: {  	_ =	shalt  }
0x86: {  	_ =	shalt  }
0x87: {  	_ =	shalt  }
.Lfunc_end0:
.L_simem_size_0:
called_computation.5_lowered:
.L_overlay_start_0:
0x88: {  	s2 =	sld [smem:$0x3FD9]  }
0x89: {  	s3 =	sld [smem:$0x3FFE];
	_ =	sdelay $0x1  }
0x8a: {  	s1 =	srdreg.scid  }
0x8b: {  	s0 =	sand.u32 $0x1, s1  }
0x8c: {  	s16 =	sshll.u32 s0, $0xA;
	s2 =	sadd.s32 s3, s2  }
0x8d: {  	s2 =	sadd.s32 s2, s16  }
0x8e: {  	[smem:$0x3FC1] =	sst s2  }
0x8f: {  	_ = 	snop  }
0x90: {  	(tm) =	ssettm $0x1  }
0x91: {  	s17 =	sld [smem:$0x3FFB];
	_ =	sdelay $0x3  }
0x92: {  	_ =	strace s17  }
0x93: {  	s2 =	sld [smem:$0x3FFC];
	_ =	sdelay $0x3  }
0x94: {  	_ =	strace s2  }
0x95: {  	s2 =	sld [smem:$0x3FFD];
	_ =	sdelay $0x3  }
0x96: {  	_ =	strace s2  }
0x97: {  	_ =	strace $0x8FFFFFFF  }
0x98: {  	s18 =	sld [smem:$0x3FDB];
	_ =	sdelay $0x1  }
0x99: {  	s19 =	simm.s32 $_scs_section_size  }
0x9a: {  	s4 =	simm.s32 $_size__tile_overlayer_lowered;
	s5 =	simm.s32 $_tile_overlayer_lowered  }
0x9b: {  	s22 =	simm.s32 $0x1BFF;
	s21 =	sshll.u32 s5, $0x1;
	s2 =	sadd.s32 s19, s18  }
0x9c: {  	s6 =	simm.s32 $0x0;
	s20 =	sshll.u32 s4, $0x1;
	s4 =	sadd.s32 s21, s2  }
0x9d: {  	[timem:s6], [sflag:s22] =	dma.local [hbm:s4], s20  }
0x9e: {  	_ =	swait.ge [sflag:s22], s20  }
0x9f: {  	s3 =	ssub.s32 $0x0, s20;
	[sflag:s22] =	ssyncset.done $0x0  }
0xa0: {  	[sflag:s22] =	ssyncadd.s32 s3;
	_ =	sdelay $0x1  }
0xa1: {  	s23 =	simm.s32 $0x1B8B  }
0xa2: {  	_ =	swait.ge [sflag:s23], $0x1  }
0xa3: {  	[sflag:s23] =	ssyncset.done $0x0  }
0xa4: {  	s25 =	simm.s32 $0x1B8E;
	s24 =	sld [smem:$0x3FFE];
	[sflag:s23] =	ssyncadd.s32 $0xFFFFFFFF  }
0xa5: {  	s26 =	simm.s32 $execute0_lowered;
	[smem:$0x3FD2] =	sst s25  }
0xa6: {  	s4 =	sshll.u32 s26, $0x1;
	_ =	strace $0x8000004C;
	[dreg:$0x1] =	wrdreg $0xFFFFFFFF  }
0xa7: {  	s28 =	simm.s32 $_size_execute0_lowered;
	s2 =	sadd.s32 s2, s4;
	[dreg:$0x0] =	wrdreg $0x0  }
0xa8: {  	s4 =	sshll.u32 s28, $0x1;
	[dreg:$0x2] =	wrdreg s2  }
0xa9: {  	[dreg:$0x3] =	wrdreg s4  }
0xaa: {  	[dreg:$0x4] =	wrdreg $0xC0  }
0xab: {  	_ =	task [dreg:s6], $0x5FFFF  }
0xac: {  	[dreg:$0x1] =	wrdreg $0xFFFFFFFF  }
0xad: {  	[dreg:$0x0] =	wrdreg $0x60  }
0xae: {  	[dreg:$0x2] =	wrdreg s24  }
0xaf: {  	[dreg:$0x3] =	wrdreg $0x9  }
0xb0: {  	_ =	task.clear_ibuf [dreg:s6], $0x4FFFF;
	_ =	strace $0x9000004C  }
0xb1: {  	s29 =	simm.s32 $0x9;
	_ =	strace $0x8000004E  }
0xb2: {  	_ =	swait.ge [sflag:s29], $0x1  }
0xb3: {  	[sflag:s29] =	ssyncadd.s32 $0xFFFFFFFF  }
0xb4: {  	_ =	strace $0x9000004E  }
0xb5: {  	_ =	sfence  }
0xb6: {  	s30 =	sld [smem:$0x0];
	_ =	sdelay $0x2  }
0xb7: {  	s31 =	sshll.u32 s1, $0xD;
	s1 =	sshrl.u32 s1, $0x2  }
0xb8: {  	s3 =	sand.u32 $0x4000, s31;
	s1 =	sadd.s32 s1, s30  }
0xb9: {  	s0 =	sor.u32 s3, s0;
	s1 =	sshll.u32 s1, $0x11  }
0xba: {  	s0 =	sor.u32 s1, s0  }
0xbb: {  	s0 =	sadd.s32 $0x8F2B, s0  }
0xbc: {  	[sflag:s0] =	ssyncadd.remote.s32 $0x1  }
0xbd: {  	_ =	sfence.sel $0xFFFF  }
0xbe: {  	[dreg:$0x0] =	wrdreg $0xFFFFFFFF;
	(pc) =	sbr.abs _section_cstart, $3  }
0xbf: {  	[dreg:$0x1] =	wrdreg $0xFFFFFFFF  }
0xc0: {  	_ =	task.clear_ibuf [dreg:s6], $0x2FFFF;
	_ =	strace $0x9FFFFFFF  }
0xc1: {  	(tm) =	ssettm $0x7FFFFFFF  }
tec
execute0_lowered:
.L_overlay_start_1:
0x0: {  	(tag) =	ssettag $0x1  }
0x1: {  	s8 =	rddreg [dreg:$0x0]  }
0x2: {  	s0 =	rddreg [dreg:$0x1];
	_ =	strace $0x8000004D;
	s1 =	stileid.u32  }
0x3: {  	s3 =	srdreg.scid;
	s4 =	simm.s32 $0x1;
	s7 =	simm.s32 $0x1  }
0x4: {  	s9 =	simm.s32 $0x1;
	s10 =	simm.s32 $0x3;
	s13 =	simm.s32 $0x0  }
0x5: {  	s12 =	simm.s32 $0x0;
	s5 =	sand.u32 $0x1, s3;
	s6 =	sshll.u32 s1, $0x1  }
0x6: {  	s2 =	sadd.s32 $0x94C00, s8;
	s3 =	sadd.s32 $0x18C600, s8;
	s5 =	sor.u32 s6, s5  }
.Ltmp0:
0x7: {  	[sflag:s4] =	ssyncpa.u1 $0x0;
	p0 =	slt.u32 s5, $0x13;
	(pc) =	sbr.rel .LBB2_1-.Ltmp0, $4  }
0x8: {  	s6 =	simm.s32 $0x2;
	s7 =	simm.s32 @!p0 $0x0;
	p0 =	sne.s32 s5, $0x12  }
0x9: {  	[sflag:s6] =	ssyncpa.u1 $0x0;
	s5 =	smul.u32 $0x7D00, s5;
	s9 =	simm.s32 @!p0 $0x0  }
0xa: {  	s8 =	sadd.s32 $0x1BD400, s8;
	[sflag:s10] =	ssyncpa.u1 $0x0;
	s7 =	sadd.s32 s9, s7  }
0xb: {  	vm0 =	vmmov $0xffff;
	s10 =	simm.s32 $0x0;
	s11 =	smov.u32 s5;
	s9 =	sadd.s32 $0x1, s7  }
.LBB2_4:
0xc: {  	v2 =	vnsel vm1, $0x0, v2  }
0xd: {  	vm1 =	vgt.s32 v0, $0x0;
	v2 =	vmin.u32 v2, $0x1869FF  }
0xe: {  	v0 =	vnsel vm1, $0x0, v0  }
0xf: {  	v0 =	vmin.u32 v0, $0x1869FF  }
0x10: {  	[tilespmem:s18], [sflag:$0x1] =	stream.indirect_vreg.gather [hbm4b:s2+s10], $0x1, v1, vm0, $0x4038;
	[tilespmem:$0x1F400] =	vst v63  }
0x11: {  	(ifvalue) =	ssetifvalue $0x7FFFFFFF  }
0x12: {  	[tilespmem:s15], [sflag:$0x1] =	stream.indirect_vreg.gather [hbm4b:s2+s10], $0x1, v2, vm0, $0x4038;
	[tilespmem:$0x1F400] =	vst v63  }
0x13: {  	s29 =	sadd.s32 $0x10, s15;
	(ifvalue) =	ssetifvalue $0x7FFFFFFF  }
0x14: {  	[tilespmem:s29], [sflag:$0x1] =	stream.indirect_vreg.gather [hbm4b:s2+s10], $0x1, v0, vm0, $0x4038;
	[tilespmem:$0x1F400] =	vst v63  }
0x15: {  	_ =	swait.ge [sflag:s4], $0x7D00  }
0x16: {  	s30 =	sshrl.u32 s13, $0x3;
	[sflag:s4] =	ssyncset.done $0x0  }
0x17: {  	s31 =	sand.u32 $0x7, s13;
	s15 =	sadd.s32 s8, s30;
	[sflag:s4] =	ssyncadd.s32 $0xFFFF8300  }
0x18: {  	[hbm4b:s15+s31] =	stream.linear.scatter [tilespmem:s14], [sflag:$0x3], $0x7D00, $0x38;
	[tilespmem:$0x1F400] =	vst v63  }
.LBB2_5:
0x19: {  	s15 =	sadd.s32 $0xFA000, s11  }
0x1a: {  	p1 =	sgt.s32 s15, $0x1869FF  }
0x1b: {  	s15 =	smov.u32 @p1 s5;
	p1 =	sne.s32 s12, s9  }
.Ltmp1:
0x1c: {  	p0 =	slt.u32 s12, $0x2;
	(pc) =	sbr.rel @!p1 .LBB2_6-.Ltmp1, $4  }
0x1d: {  	s14 =	simm.s32 @!p0 $0x3  }
0x1e: {  	_ =	swait.ge @!p0 [sflag:s14], $0x7D00  }
0x1f: {  	s16 =	sadd.s32 $0x1, s12;
	s13 =	smov.u32 s11;
	[sflag:s14] =	ssyncset.done @!p0 $0x0  }
0x20: {  	s12 =	smov.u32 s16;
	s11 =	smov.u32 s15;
	[sflag:s14] =	ssyncadd.s32 @!p0 $0xFFFF8300  }
.LBB2_1:
0x21: {  	p0 =	sge.u32 s12, s7  }
0x22: {  	s14 =	sxor.u32 @!p0 $0x1, s12  }
0x23: {  	s14 =	smul.u32 @!p0 $0x1F400, s14  }
0x24: {  	s31 =	sadd.s32 $0xFFFFFFFF, s12;
	s15 =	sshrl.u32 @!p0 s11, $0x3  }
0x25: {  	s16 =	sand.u32 @!p0 $0x7, s11;
	s15 =	sadd.s32 @!p0 s3, s15;
	s14 =	sshra.s32 @!p0 s14, $0x2  }
0x26: {  	[tilespmem:s14], [sflag:$0x2] =	stream.linear.gather @!p0 [hbm4b:s15+s16], $0x7D00, $0x38;
	[tilespmem:$0x1F400] =	vst v63  }
0x27: {  	p0 =	sge.u32 s31, s7  }
.Ltmp2:
0x28: {  	_ = 	snop;
	(pc) =	sbr.rel @p0 .LBB2_5-.Ltmp2, $1  }
0x29: {  	_ =	sdelay $0x3  }
0x2a: {  	s14 =	sand.u32 $0x1, s12  }
0x2b: {  	_ =	swait.ge [sflag:s6], $0x7D00;
	p0 =	seq.s32 s14, $0x1;
	s14 =	simm.s32 $0x7D00  }
0x2c: {  	[sflag:s6] =	ssyncset.done $0x0;
	s14 =	simm.s32 @!p0 $0x0  }
0x2d: {  	[sflag:s6] =	ssyncadd.s32 $0xFFFF8300;
	(ifvalue) =	ssetifvalue $0x7FFFFFFF;
	v0 =	vld.msk [tilespmem:s14+$0x0 ss:$0x1], $0xffff;
	_ =	sdelay $0x4  }
0x2e: {  	s15 =	sadd.s32 $0x10, s14;
	vm1 =	vgt.s32 v0, $0x0  }
0x2f: {  	v2 =	vld.msk [tilespmem:s15+$0x0 ss:$0x1], $0xffff;
	v1 =	vnsel vm1, $0x0, v0  }
0x30: {  	v1 =	vmin.u32 v1, $0x1869FF;
	_ =	sdelay $0x2  }
0x31: {  	s17 =	simm.s32 $0x20;
	s14 =	sadd.s32 $0xFA00, s14;
	s16 =	sadd.s32 $0x10, s15  }
0x32: {  	s15 =	sadd.s32 $0x10, s14;
	s18 =	smov.u32 s14;
	v0 =	vld.msk [tilespmem:s16+$0x0 ss:$0x1], $0xffff;
	vm1 =	vgt.s32 v2, $0x0;
	(ifvalue) =	ssetifvalue $0x7FFFFFFF  }
.LBB2_3:
0x33: {  	[tilespmem:s18], [sflag:$0x1] =	stream.indirect_vreg.gather [hbm4b:s2+s10], $0x1, v1, vm0, $0x4038;
	[tilespmem:$0x1F400] =	vst v63  }
0x34: {  	s17 =	sadd.s32 $0x10, s17  }
0x35: {  	v2 =	vnsel vm1, $0x0, v2;
	p0 =	slt.u32 s17, $0x7CF0  }
.Ltmp3:
0x36: {  	s18 =	smov.u32 s15;
	v1 =	vmin.u32 v2, $0x1869FF;
	(pc) =	sbr.rel @p0 .LBB2_3-.Ltmp3, $3  }
0x37: {  	_ =	sdelay $0x1  }
0x38: {  	s16 =	sadd.s32 $0x10, s16  }
0x39: {  	vm1 =	vgt.s32 v0, $0x0;
	s15 =	sadd.s32 $0x10, s15;
	v2 =	vmov v0;
	(ifvalue) =	ssetifvalue $0x7FFFFFFF;
	v0 =	vld.msk [tilespmem:s16+$0x0 ss:$0x1], $0xffff  }
.Ltmp4:
0x3a: {  	_ = 	snop;
	(pc) =	sbr.rel .LBB2_4-.Ltmp4, $1  }
0x3b: {  	_ =	sdelay $0x3  }
.LBB2_6:
0x3c: {  	_ =	sfence.sel $0x180000  }
0x3d: {  	s2 =	simm.s32 $0x2;
	[bflag:$0x0] =	sbarrier.arrive $0xFFFF  }
0x3e: {  	s30 =	simm.s32 $0x3;
	[sflag:s2] =	ssyncpa.u1 $0x1  }
0x3f: {  	s31 =	simm.s32 $0x1;
	[sflag:s30] =	ssyncpa.u1 $0x1  }
0x40: {  	[sflag:s31] =	ssyncpa.u1 $0x1  }
0x41: {  	p0 =	sne.s32 s1, $0x0;
	_ =	strace $0x9000004D  }
0x42: {  	s0 =	sadd.s32 @!p0 $0x100000, s0;
	[bflag:$0x2] =	sbarrier.arrive $0xFFFF  }
0x43: {  	[sflag:s0] =	ssyncadd.tile.s32 @!p0 $0x1;
	_ =	shalt  }
.Lfunc_end2:
_tile_overlayer_lowered:
.L_overlay_start_2:
0x44: {  	(tag) =	ssettag $0x2  }
0x45: {  	s0 =	rddreg [dreg:$0x0];
	s2 =	stileid.u32  }
0x46: {  	s1 =	rddreg [dreg:$0x1];
	p0 =	sne.s32 s2, $0x0  }
0x47: {  	s3 =	rddreg [dreg:$0x2];
	[bflag:$0x3] =	sbarrier.arrive $0xFFFF;
	s2 =	simm.s32 @!p0 $0x1C01  }
0x48: {  	[timem:s3], [sflag:s2] =	dma.local @!p0 [hbm:s0], s1  }
0x49: {  	s0 =	simm.s32 @!p0 $0x1  }
0x4a: {  	_ =	swait.ge @!p0 [sflag:s0], s1  }
0x4b: {  	s1 =	ssub.s32 @!p0 $0x0, s1;
	[sflag:s0] =	ssyncset.done @!p0 $0x0  }
0x4c: {  	[sflag:s0] =	ssyncadd.s32 @!p0 s1  }
0x4d: {  	[bflag:$0x3] =	sbarrier.arrive $0xFFFF  }
0x4e: {  	_ =	shalt  }

// kernel: gather_offload_async_start
scs
__scs_entry_jumppad:
0x0: {  	(pc) =	sbr.rel $0x88, $3  }
0x1: {  	(tag) =	ssettag $0x0;
	lr =	simm.s32 $0x1  }
0x2: {  	[smem:$0x3F9A] =	sst lr;
	_ =	strace $0xD0000000  }
0x3: {  	_ = 	snop  }
0x4: {  	_ = 	snop  }
0x5: {  	_ = 	snop  }
0x6: {  	_ = 	snop  }
0x7: {  	_ = 	snop  }
__scs_overlays_trampoline_lowered:
0x8: {  	[smem:$0x3FA9] =	sst s0  }
0x9: {  	[smem:$0x3FAA] =	sst s1  }
0xa: {  	[smem:$0x3FAB] =	sst s2  }
0xb: {  	[smem:$0x3FAC] =	sst s3  }
0xc: {  	[smem:$0x3FAD] =	sst s4  }
0xd: {  	[smem:$0x3FAE] =	sst s5  }
0xe: {  	[smem:$0x3FAF] =	sst s6  }
0xf: {  	[smem:$0x3FB0] =	sst s7  }
0x10: {  	[smem:$0x3FB1] =	sst s8  }
0x11: {  	[smem:$0x3FB2] =	sst s9;
	s0 =	simm.s32 @!p0 $0x0  }
0x12: {  	s1 =	sld [smem:$0x3F98];
	s0 =	simm.s32 @p0 $0x1  }
0x13: {  	[smem:$0x3FB3] =	sst s0;
	s0 =	simm.s32 @!p1 $0x0  }
0x14: {  	s2 =	sld [smem:$0x3F97];
	s0 =	simm.s32 @p1 $0x1  }
0x15: {  	[smem:$0x3FB4] =	sst s0;
	s0 =	simm.s32 @!p2 $0x0  }
0x16: {  	s3 =	sld [smem:$0x3FDB];
	s0 =	simm.s32 @p2 $0x1  }
0x17: {  	s4 =	simm.s32 $0x1BF5;
	[smem:$0x3FB6] =	sst s0  }
0x18: {  	s0 =	sld [smem:$0x3F99];
	_ =	swait.ge [sflag:s4], $0x0  }
0x19: {  	s7 =	sld [smem:$0x3F9A]  }
0x1a: {  	s8 =	sadd.s32 $0xFFFFE003, lr  }
0x1b: {  	s9 =	sadd.s32 $0xFFFFFEF7, lr;
	s5 =	simm.s32 $0xFFFFFFFF;
	p2 =	slt.u32 s8, $0xFFFFF086  }
0x1c: {  	p1 =	slt.u32 s9, $0xF7A;
	s5 =	simm.s32 @!p2 $0x0  }
0x1d: {  	s5 =	simm.s32 @p1 $0x1;
	p0 =	seq.s32 s7, s2  }
0x1e: {  	s7 =	smul.u32 @!p0 $0xF7A, s2;
	p2 =	seq.s32 @!p0 s5, $0x0  }
0x1f: {  	s9 =	smul.u32 $0xF7A, s1;
	s8 =	simm.s32 @!p0 $0x1BF5;
	p2 =	por !p2, p0  }
0x20: {  	[sflag:s8] =	ssyncset.s32 @!p0 $0xFFFFF086;
	s6 =	sadd.s32 @!p0 s3, s7;
	s7 =	simm.s32 @!p0 $0x108  }
0x21: {  	s3 =	sadd.s32 s3, s9;
	s6 =	sadd.s32 @!p0 $0x88, s6;
	s7 =	simm.s32 @p2 $0x1082  }
0x22: {  	[simem:s7], [sflag:s8] =	dma.local @!p0 [hbm:s6], $0xF7A  }
0x23: {  	s9 =	sor.u32 $0xD0000000, s2;
	s6 =	simm.s32 $0x108;
	_ =	swait.ge @!p0 [sflag:s8], $0x0  }
0x24: {  	s3 =	sadd.s32 $0x88, s3;
	s6 =	simm.s32 @!p1 $0x1082;
	[sflag:s4] =	ssyncset.s32 $0xFFFFF086  }
0x25: {  	[simem:s6], [sflag:s4] =	dma.local [hbm:s3], $0xF7A  }
0x26: {  	[smem:$0x3F9A] =	sst s1;
	(tag) =	ssettag s2;
	_ =	strace s9  }
0x27: {  	s1 =	sld [smem:$0x3FAA]  }
0x28: {  	s2 =	sld [smem:$0x3FAB]  }
0x29: {  	s4 =	sld [smem:$0x3FAD]  }
0x2a: {  	p0 =	seq.s32 s5, $0x0;
	s5 =	sld [smem:$0x3FAE]  }
0x2b: {  	s6 =	sld [smem:$0x3FAF]  }
0x2c: {  	s7 =	sld [smem:$0x3FB0]  }
0x2d: {  	s3 =	simm.s32 $0x108;
	s8 =	sld [smem:$0x3FB1]  }
0x2e: {  	s3 =	simm.s32 @!p0 $0x1082;
	s9 =	sld [smem:$0x3FB2]  }
0x2f: {  	lr =	sadd.s32 s0, s3;
	s0 =	sld [smem:$0x3FA9]  }
0x30: {  	s3 =	sld [smem:$0x3FAC]  }
0x31: {  	[smem:$0x3FB5] =	sst s10  }
0x32: {  	s10 =	sld [smem:$0x3FB3];
	_ =	sdelay $0x3  }
0x33: {  	p0 =	seq.s32 s10, $0x1;
	s10 =	sld [smem:$0x3FB5];
	_ =	sdelay $0x3  }
0x34: {  	[smem:$0x3FB5] =	sst s10  }
0x35: {  	s10 =	sld [smem:$0x3FB4];
	_ =	sdelay $0x3  }
0x36: {  	p1 =	seq.s32 s10, $0x1;
	s10 =	sld [smem:$0x3FB5];
	_ =	sdelay $0x3  }
0x37: {  	[smem:$0x3FB5] =	sst s10  }
0x38: {  	s10 =	sld [smem:$0x3FB6]  }
0x39: {  	_ = 	snop;
	(pc) =	sbr.ind lr, $3  }
0x3a: {  	_ = 	snop  }
0x3b: {  	_ = 	snop  }
0x3c: {  	p2 =	seq.s32 s10, $0x1;
	s10 =	sld [smem:$0x3FB5]  }
0x3d: {  	_ =	shalt  }
0x3e: {  	_ =	shalt  }
0x3f: {  	_ =	shalt  }
0x40: {  	_ =	shalt  }
0x41: {  	_ =	shalt  }
0x42: {  	_ =	shalt  }
0x43: {  	_ =	shalt  }
0x44: {  	_ =	shalt  }
0x45: {  	_ =	shalt  }
0x46: {  	_ =	shalt  }
0x47: {  	_ =	shalt  }
0x48: {  	_ =	shalt  }
0x49: {  	_ =	shalt  }
0x4a: {  	_ =	shalt  }
0x4b: {  	_ =	shalt  }
0x4c: {  	_ =	shalt  }
0x4d: {  	_ =	shalt  }
0x4e: {  	_ =	shalt  }
0x4f: {  	_ =	shalt  }
0x50: {  	_ =	shalt  }
0x51: {  	_ =	shalt  }
0x52: {  	_ =	shalt  }
0x53: {  	_ =	shalt  }
0x54: {  	_ =	shalt  }
0x55: {  	_ =	shalt  }
0x56: {  	_ =	shalt  }
0x57: {  	_ =	shalt  }
0x58: {  	_ =	shalt  }
0x59: {  	_ =	shalt  }
0x5a: {  	_ =	shalt  }
0x5b: {  	_ =	shalt  }
0x5c: {  	_ =	shalt  }
0x5d: {  	_ =	shalt  }
0x5e: {  	_ =	shalt  }
0x5f: {  	_ =	shalt  }
0x60: {  	_ =	shalt  }
0x61: {  	_ =	shalt  }
0x62: {  	_ =	shalt  }
0x63: {  	_ =	shalt  }
0x64: {  	_ =	shalt  }
0x65: {  	_ =	shalt  }
0x66: {  	_ =	shalt  }
0x67: {  	_ =	shalt  }
0x68: {  	_ =	shalt  }
0x69: {  	_ =	shalt  }
0x6a: {  	_ =	shalt  }
0x6b: {  	_ =	shalt  }
0x6c: {  	_ =	shalt  }
0x6d: {  	_ =	shalt  }
0x6e: {  	_ =	shalt  }
0x6f: {  	_ =	shalt  }
0x70: {  	_ =	shalt  }
0x71: {  	_ =	shalt  }
0x72: {  	_ =	shalt  }
0x73: {  	_ =	shalt  }
0x74: {  	_ =	shalt  }
0x75: {  	_ =	shalt  }
0x76: {  	_ =	shalt  }
0x77: {  	_ =	shalt  }
0x78: {  	_ =	shalt  }
0x79: {  	_ =	shalt  }
0x7a: {  	_ =	shalt  }
0x7b: {  	_ =	shalt  }
0x7c: {  	_ =	shalt  }
0x7d: {  	_ =	shalt  }
0x7e: {  	_ =	shalt  }
0x7f: {  	_ =	shalt  }
0x80: {  	_ =	shalt  }
0x81: {  	_ =	shalt  }
0x82: {  	_ =	shalt  }
0x83: {  	_ =	shalt  }
0x84: {  	_ =	shalt  }
0x85: {  	_ =	shalt  }
0x86: {  	_ =	shalt  }
0x87: {  	_ =	shalt  }
.Lfunc_end0:
.L_simem_size_0:
called_computation.3_lowered:
.L_overlay_start_0:
0x88: {  	s2 =	sld [smem:$0x3FD9]  }
0x89: {  	s3 =	sld [smem:$0x3FFE];
	_ =	sdelay $0x1  }
0x8a: {  	s1 =	srdreg.scid  }
0x8b: {  	s0 =	sand.u32 $0x1, s1  }
0x8c: {  	s16 =	sshll.u32 s0, $0xA;
	s2 =	sadd.s32 s3, s2  }
0x8d: {  	s2 =	sadd.s32 s2, s16  }
0x8e: {  	[smem:$0x3FC1] =	sst s2  }
0x8f: {  	_ = 	snop  }
0x90: {  	(tm) =	ssettm $0x1  }
0x91: {  	s17 =	sld [smem:$0x3FFB];
	_ =	sdelay $0x3  }
0x92: {  	_ =	strace s17  }
0x93: {  	s2 =	sld [smem:$0x3FFC];
	_ =	sdelay $0x3  }
0x94: {  	_ =	strace s2  }
0x95: {  	s2 =	sld [smem:$0x3FFD];
	_ =	sdelay $0x3  }
0x96: {  	_ =	strace s2  }
0x97: {  	_ =	strace $0x8FFFFFFF  }
0x98: {  	s18 =	sld [smem:$0x3FDB];
	_ =	sdelay $0x1  }
0x99: {  	s19 =	simm.s32 $_scs_section_size  }
0x9a: {  	s4 =	simm.s32 $_size__tile_overlayer_lowered;
	s5 =	simm.s32 $_tile_overlayer_lowered  }
0x9b: {  	s22 =	simm.s32 $0x1BFF;
	s21 =	sshll.u32 s5, $0x1;
	s2 =	sadd.s32 s19, s18  }
0x9c: {  	s6 =	simm.s32 $0x0;
	s20 =	sshll.u32 s4, $0x1;
	s4 =	sadd.s32 s21, s2  }
0x9d: {  	[timem:s6], [sflag:s22] =	dma.local [hbm:s4], s20  }
0x9e: {  	_ =	swait.ge [sflag:s22], s20  }
0x9f: {  	s3 =	ssub.s32 $0x0, s20;
	[sflag:s22] =	ssyncset.done $0x0  }
0xa0: {  	[sflag:s22] =	ssyncadd.s32 s3;
	_ =	sdelay $0x1  }
0xa1: {  	s23 =	simm.s32 $0x1B8B  }
0xa2: {  	_ =	swait.ge [sflag:s23], $0x1  }
0xa3: {  	[sflag:s23] =	ssyncset.done $0x0  }
0xa4: {  	s25 =	simm.s32 $0x1B8E;
	s24 =	sld [smem:$0x3FFE];
	[sflag:s23] =	ssyncadd.s32 $0xFFFFFFFF  }
0xa5: {  	s26 =	simm.s32 $execute0_lowered;
	[smem:$0x3FD2] =	sst s25  }
0xa6: {  	s4 =	sshll.u32 s26, $0x1;
	_ =	strace $0x80000049;
	[dreg:$0x1] =	wrdreg $0xFFFFFFFF  }
0xa7: {  	s28 =	simm.s32 $_size_execute0_lowered;
	s2 =	sadd.s32 s2, s4;
	[dreg:$0x0] =	wrdreg $0x0  }
0xa8: {  	s4 =	sshll.u32 s28, $0x1;
	[dreg:$0x2] =	wrdreg s2  }
0xa9: {  	[dreg:$0x3] =	wrdreg s4  }
0xaa: {  	[dreg:$0x4] =	wrdreg $0xC0  }
0xab: {  	_ =	task [dreg:s6], $0x5FFFF  }
0xac: {  	[dreg:$0x1] =	wrdreg $0xFFFFFFFF  }
0xad: {  	[dreg:$0x0] =	wrdreg $0x60  }
0xae: {  	[dreg:$0x2] =	wrdreg s24  }
0xaf: {  	[dreg:$0x3] =	wrdreg $0x9  }
0xb0: {  	_ =	task.clear_ibuf [dreg:s6], $0x4FFFF;
	_ =	strace $0x90000049  }
0xb1: {  	s29 =	simm.s32 $0x9;
	_ =	strace $0x8000004B  }
0xb2: {  	_ =	swait.ge [sflag:s29], $0x1  }
0xb3: {  	[sflag:s29] =	ssyncadd.s32 $0xFFFFFFFF  }
0xb4: {  	_ =	strace $0x9000004B  }
0xb5: {  	_ =	sfence  }
0xb6: {  	s30 =	sld [smem:$0x0];
	_ =	sdelay $0x2  }
0xb7: {  	s31 =	sshll.u32 s1, $0xD;
	s1 =	sshrl.u32 s1, $0x2  }
0xb8: {  	s3 =	sand.u32 $0x4000, s31;
	s1 =	sadd.s32 s1, s30  }
0xb9: {  	s0 =	sor.u32 s3, s0;
	s1 =	sshll.u32 s1, $0x11  }
0xba: {  	s0 =	sor.u32 s1, s0  }
0xbb: {  	s0 =	sadd.s32 $0x8F2B, s0  }
0xbc: {  	[sflag:s0] =	ssyncadd.remote.s32 $0x1  }
0xbd: {  	_ =	sfence.sel $0xFFFF  }
0xbe: {  	[dreg:$0x0] =	wrdreg $0xFFFFFFFF;
	(pc) =	sbr.abs _section_cstart, $3  }
0xbf: {  	[dreg:$0x1] =	wrdreg $0xFFFFFFFF  }
0xc0: {  	_ =	task.clear_ibuf [dreg:s6], $0x2FFFF;
	_ =	strace $0x9FFFFFFF  }
0xc1: {  	(tm) =	ssettm $0x7FFFFFFF  }
tec
execute0_lowered:
.L_overlay_start_1:
0x0: {  	(tag) =	ssettag $0x1  }
0x1: {  	s2 =	rddreg [dreg:$0x0]  }
0x2: {  	s0 =	rddreg [dreg:$0x1];
	s1 =	stileid.u32  }
0x3: {  	s3 =	srdreg.scid;
	_ =	strace $0x8000004A;
	s4 =	simm.s32 $0x1  }
0x4: {  	s7 =	simm.s32 $0x1;
	s8 =	simm.s32 $0x1;
	s9 =	simm.s32 $0x3  }
0x5: {  	s10 =	simm.s32 $0x0;
	s5 =	sand.u32 $0x1, s3;
	s6 =	sshll.u32 s1, $0x1  }
0x6: {  	s13 =	simm.s32 $0x0;
	s12 =	simm.s32 $0x0;
	s5 =	sor.u32 s6, s5  }
.Ltmp0:
0x7: {  	[sflag:s4] =	ssyncpa.u1 $0x0;
	p0 =	slt.u32 s5, $0x19;
	(pc) =	sbr.rel .LBB2_1-.Ltmp0, $4  }
0x8: {  	s6 =	simm.s32 $0x2;
	s7 =	simm.s32 @!p0 $0x0;
	p0 =	sne.s32 s5, $0x18  }
0x9: {  	[sflag:s6] =	ssyncpa.u1 $0x0;
	s5 =	smul.u32 $0x380, s5;
	s8 =	simm.s32 @!p0 $0x0  }
0xa: {  	s3 =	sadd.s32 $0xF8200, s2;
	[sflag:s9] =	ssyncpa.u1 $0x0;
	s7 =	sadd.s32 s8, s7  }
0xb: {  	vm0 =	vmmov $0xffff;
	s8 =	sadd.s32 $0xF6800, s2;
	s11 =	smov.u32 s5;
	s9 =	sadd.s32 $0x1, s7  }
.LBB2_4:
0xc: {  	v2 =	vnsel vm1, $0x0, v2  }
0xd: {  	vm1 =	vgt.s32 v0, $0x0;
	v2 =	vmin.u32 v2, $0xC3FF  }
0xe: {  	v0 =	vnsel vm1, $0x0, v0  }
0xf: {  	v0 =	vmin.u32 v0, $0xC3FF  }
0x10: {  	[tilespmem:s18], [sflag:$0x1] =	stream.indirect_vreg.gather [hbm4b:s3+s10], $0x1, v1, vm0, $0x4038;
	[tilespmem:$0xE00] =	vst v63  }
0x11: {  	(ifvalue) =	ssetifvalue $0x7FFFFFFF  }
0x12: {  	[tilespmem:s15], [sflag:$0x1] =	stream.indirect_vreg.gather [hbm4b:s3+s10], $0x1, v2, vm0, $0x4038;
	[tilespmem:$0xE00] =	vst v63  }
0x13: {  	s29 =	sadd.s32 $0x10, s15;
	(ifvalue) =	ssetifvalue $0x7FFFFFFF  }
0x14: {  	[tilespmem:s29], [sflag:$0x1] =	stream.indirect_vreg.gather [hbm4b:s3+s10], $0x1, v0, vm0, $0x4038;
	[tilespmem:$0xE00] =	vst v63  }
0x15: {  	_ =	swait.ge [sflag:s4], $0x380  }
0x16: {  	s30 =	sshrl.u32 s13, $0x3;
	[sflag:s4] =	ssyncset.done $0x0  }
0x17: {  	s31 =	sand.u32 $0x7, s13;
	s15 =	sadd.s32 s8, s30;
	[sflag:s4] =	ssyncadd.s32 $0xFFFFFC80  }
0x18: {  	[hbm4b:s15+s31] =	stream.linear.scatter [tilespmem:s14], [sflag:$0x3], $0x380, $0x38;
	[tilespmem:$0xE00] =	vst v63  }
.LBB2_5:
0x19: {  	s15 =	sadd.s32 $0x7000, s11  }
0x1a: {  	p1 =	sgt.s32 s15, $0xC3FF  }
0x1b: {  	s15 =	smov.u32 @p1 s5;
	p1 =	sne.s32 s12, s9  }
.Ltmp1:
0x1c: {  	p0 =	slt.u32 s12, $0x2;
	(pc) =	sbr.rel @!p1 .LBB2_6-.Ltmp1, $4  }
0x1d: {  	s14 =	simm.s32 @!p0 $0x3  }
0x1e: {  	_ =	swait.ge @!p0 [sflag:s14], $0x380  }
0x1f: {  	s16 =	sadd.s32 $0x1, s12;
	s13 =	smov.u32 s11;
	[sflag:s14] =	ssyncset.done @!p0 $0x0  }
0x20: {  	s12 =	smov.u32 s16;
	s11 =	smov.u32 s15;
	[sflag:s14] =	ssyncadd.s32 @!p0 $0xFFFFFC80  }
.LBB2_1:
0x21: {  	p0 =	sge.u32 s12, s7  }
0x22: {  	s14 =	sxor.u32 @!p0 $0x1, s12  }
0x23: {  	s14 =	smul.u32 @!p0 $0xE00, s14  }
0x24: {  	s31 =	sadd.s32 $0xFFFFFFFF, s12;
	s15 =	sshrl.u32 @!p0 s11, $0x3  }
0x25: {  	s16 =	sand.u32 @!p0 $0x7, s11;
	s15 =	sadd.s32 @!p0 s2, s15;
	s14 =	sshra.s32 @!p0 s14, $0x2  }
0x26: {  	[tilespmem:s14], [sflag:$0x2] =	stream.linear.gather @!p0 [hbm4b:s15+s16], $0x380, $0x38;
	[tilespmem:$0xE00] =	vst v63  }
0x27: {  	p0 =	sge.u32 s31, s7  }
.Ltmp2:
0x28: {  	_ = 	snop;
	(pc) =	sbr.rel @p0 .LBB2_5-.Ltmp2, $1  }
0x29: {  	_ =	sdelay $0x3  }
0x2a: {  	s14 =	sand.u32 $0x1, s12  }
0x2b: {  	_ =	swait.ge [sflag:s6], $0x380;
	p0 =	seq.s32 s14, $0x1;
	s14 =	simm.s32 $0x380  }
0x2c: {  	[sflag:s6] =	ssyncset.done $0x0;
	s14 =	simm.s32 @!p0 $0x0  }
0x2d: {  	[sflag:s6] =	ssyncadd.s32 $0xFFFFFC80;
	(ifvalue) =	ssetifvalue $0x7FFFFFFF;
	v0 =	vld.msk [tilespmem:s14+$0x0 ss:$0x1], $0xffff;
	_ =	sdelay $0x4  }
0x2e: {  	s15 =	sadd.s32 $0x10, s14;
	vm1 =	vgt.s32 v0, $0x0  }
0x2f: {  	v2 =	vld.msk [tilespmem:s15+$0x0 ss:$0x1], $0xffff;
	v1 =	vnsel vm1, $0x0, v0  }
0x30: {  	v1 =	vmin.u32 v1, $0xC3FF;
	_ =	sdelay $0x2  }
0x31: {  	s17 =	simm.s32 $0x20;
	s14 =	sadd.s32 $0x700, s14;
	s16 =	sadd.s32 $0x10, s15  }
0x32: {  	s15 =	sadd.s32 $0x10, s14;
	s18 =	smov.u32 s14;
	v0 =	vld.msk [tilespmem:s16+$0x0 ss:$0x1], $0xffff;
	vm1 =	vgt.s32 v2, $0x0;
	(ifvalue) =	ssetifvalue $0x7FFFFFFF  }
.LBB2_3:
0x33: {  	[tilespmem:s18], [sflag:$0x1] =	stream.indirect_vreg.gather [hbm4b:s3+s10], $0x1, v1, vm0, $0x4038;
	[tilespmem:$0xE00] =	vst v63  }
0x34: {  	s17 =	sadd.s32 $0x10, s17  }
0x35: {  	v2 =	vnsel vm1, $0x0, v2;
	p0 =	slt.u32 s17, $0x370  }
.Ltmp3:
0x36: {  	s18 =	smov.u32 s15;
	v1 =	vmin.u32 v2, $0xC3FF;
	(pc) =	sbr.rel @p0 .LBB2_3-.Ltmp3, $3  }
0x37: {  	_ =	sdelay $0x1  }
0x38: {  	s16 =	sadd.s32 $0x10, s16  }
0x39: {  	vm1 =	vgt.s32 v0, $0x0;
	s15 =	sadd.s32 $0x10, s15;
	v2 =	vmov v0;
	(ifvalue) =	ssetifvalue $0x7FFFFFFF;
	v0 =	vld.msk [tilespmem:s16+$0x0 ss:$0x1], $0xffff  }
.Ltmp4:
0x3a: {  	_ = 	snop;
	(pc) =	sbr.rel .LBB2_4-.Ltmp4, $1  }
0x3b: {  	_ =	sdelay $0x3  }
.LBB2_6:
0x3c: {  	_ =	sfence.sel $0x180000  }
0x3d: {  	s2 =	simm.s32 $0x2;
	[bflag:$0x0] =	sbarrier.arrive $0xFFFF  }
0x3e: {  	s30 =	simm.s32 $0x3;
	[sflag:s2] =	ssyncpa.u1 $0x1  }
0x3f: {  	s31 =	simm.s32 $0x1;
	[sflag:s30] =	ssyncpa.u1 $0x1  }
0x40: {  	[sflag:s31] =	ssyncpa.u1 $0x1  }
0x41: {  	p0 =	sne.s32 s1, $0x0;
	_ =	strace $0x9000004A  }
0x42: {  	s0 =	sadd.s32 @!p0 $0x100000, s0;
	[bflag:$0x2] =	sbarrier.arrive $0xFFFF  }
0x43: {  	[sflag:s0] =	ssyncadd.tile.s32 @!p0 $0x1;
	_ =	shalt  }
.Lfunc_end2:
_tile_overlayer_lowered:
.L_overlay_start_2:
0x44: {  	(tag) =	ssettag $0x2  }
0x45: {  	s0 =	rddreg [dreg:$0x0];
	s2 =	stileid.u32  }
0x46: {  	s1 =	rddreg [dreg:$0x1];
	p0 =	sne.s32 s2, $0x0  }
0x47: {  	s3 =	rddreg [dreg:$0x2];
	[bflag:$0x3] =	sbarrier.arrive $0xFFFF;
	s2 =	simm.s32 @!p0 $0x1C01  }
0x48: {  	[timem:s3], [sflag:s2] =	dma.local @!p0 [hbm:s0], s1  }
0x49: {  	s0 =	simm.s32 @!p0 $0x1  }
0x4a: {  	_ =	swait.ge @!p0 [sflag:s0], s1  }
0x4b: {  	s1 =	ssub.s32 @!p0 $0x0, s1;
	[sflag:s0] =	ssyncset.done @!p0 $0x0  }
0x4c: {  	[sflag:s0] =	ssyncadd.s32 @!p0 s1  }
0x4d: {  	[bflag:$0x3] =	sbarrier.arrive $0xFFFF  }
0x4e: {  	_ =	shalt  }

// kernel: scatter_offload_async_start.1
scs
__scs_entry_jumppad:
0x0: {  	(pc) =	sbr.rel $0x88, $3  }
0x1: {  	(tag) =	ssettag $0x0;
	lr =	simm.s32 $0x1  }
0x2: {  	[smem:$0x3F9A] =	sst lr;
	_ =	strace $0xD0000000  }
0x3: {  	_ = 	snop  }
0x4: {  	_ = 	snop  }
0x5: {  	_ = 	snop  }
0x6: {  	_ = 	snop  }
0x7: {  	_ = 	snop  }
__scs_overlays_trampoline_lowered:
0x8: {  	[smem:$0x3FA9] =	sst s0  }
0x9: {  	[smem:$0x3FAA] =	sst s1  }
0xa: {  	[smem:$0x3FAB] =	sst s2  }
0xb: {  	[smem:$0x3FAC] =	sst s3  }
0xc: {  	[smem:$0x3FAD] =	sst s4  }
0xd: {  	[smem:$0x3FAE] =	sst s5  }
0xe: {  	[smem:$0x3FAF] =	sst s6  }
0xf: {  	[smem:$0x3FB0] =	sst s7  }
0x10: {  	[smem:$0x3FB1] =	sst s8  }
0x11: {  	[smem:$0x3FB2] =	sst s9;
	s0 =	simm.s32 @!p0 $0x0  }
0x12: {  	s1 =	sld [smem:$0x3F98];
	s0 =	simm.s32 @p0 $0x1  }
0x13: {  	[smem:$0x3FB3] =	sst s0;
	s0 =	simm.s32 @!p1 $0x0  }
0x14: {  	s2 =	sld [smem:$0x3F97];
	s0 =	simm.s32 @p1 $0x1  }
0x15: {  	[smem:$0x3FB4] =	sst s0;
	s0 =	simm.s32 @!p2 $0x0  }
0x16: {  	s3 =	sld [smem:$0x3FDB];
	s0 =	simm.s32 @p2 $0x1  }
0x17: {  	s4 =	simm.s32 $0x1BF5;
	[smem:$0x3FB6] =	sst s0  }
0x18: {  	s0 =	sld [smem:$0x3F99];
	_ =	swait.ge [sflag:s4], $0x0  }
0x19: {  	s7 =	sld [smem:$0x3F9A]  }
0x1a: {  	s8 =	sadd.s32 $0xFFFFE003, lr  }
0x1b: {  	s9 =	sadd.s32 $0xFFFFFEF7, lr;
	s5 =	simm.s32 $0xFFFFFFFF;
	p2 =	slt.u32 s8, $0xFFFFF086  }
0x1c: {  	p1 =	slt.u32 s9, $0xF7A;
	s5 =	simm.s32 @!p2 $0x0  }
0x1d: {  	s5 =	simm.s32 @p1 $0x1;
	p0 =	seq.s32 s7, s2  }
0x1e: {  	s7 =	smul.u32 @!p0 $0xF7A, s2;
	p2 =	seq.s32 @!p0 s5, $0x0  }
0x1f: {  	s9 =	smul.u32 $0xF7A, s1;
	s8 =	simm.s32 @!p0 $0x1BF5;
	p2 =	por !p2, p0  }
0x20: {  	[sflag:s8] =	ssyncset.s32 @!p0 $0xFFFFF086;
	s6 =	sadd.s32 @!p0 s3, s7;
	s7 =	simm.s32 @!p0 $0x108  }
0x21: {  	s3 =	sadd.s32 s3, s9;
	s6 =	sadd.s32 @!p0 $0x88, s6;
	s7 =	simm.s32 @p2 $0x1082  }
0x22: {  	[simem:s7], [sflag:s8] =	dma.local @!p0 [hbm:s6], $0xF7A  }
0x23: {  	s9 =	sor.u32 $0xD0000000, s2;
	s6 =	simm.s32 $0x108;
	_ =	swait.ge @!p0 [sflag:s8], $0x0  }
0x24: {  	s3 =	sadd.s32 $0x88, s3;
	s6 =	simm.s32 @!p1 $0x1082;
	[sflag:s4] =	ssyncset.s32 $0xFFFFF086  }
0x25: {  	[simem:s6], [sflag:s4] =	dma.local [hbm:s3], $0xF7A  }
0x26: {  	[smem:$0x3F9A] =	sst s1;
	(tag) =	ssettag s2;
	_ =	strace s9  }
0x27: {  	s1 =	sld [smem:$0x3FAA]  }
0x28: {  	s2 =	sld [smem:$0x3FAB]  }
0x29: {  	s4 =	sld [smem:$0x3FAD]  }
0x2a: {  	p0 =	seq.s32 s5, $0x0;
	s5 =	sld [smem:$0x3FAE]  }
0x2b: {  	s6 =	sld [smem:$0x3FAF]  }
0x2c: {  	s7 =	sld [smem:$0x3FB0]  }
0x2d: {  	s3 =	simm.s32 $0x108;
	s8 =	sld [smem:$0x3FB1]  }
0x2e: {  	s3 =	simm.s32 @!p0 $0x1082;
	s9 =	sld [smem:$0x3FB2]  }
0x2f: {  	lr =	sadd.s32 s0, s3;
	s0 =	sld [smem:$0x3FA9]  }
0x30: {  	s3 =	sld [smem:$0x3FAC]  }
0x31: {  	[smem:$0x3FB5] =	sst s10  }
0x32: {  	s10 =	sld [smem:$0x3FB3];
	_ =	sdelay $0x3  }
0x33: {  	p0 =	seq.s32 s10, $0x1;
	s10 =	sld [smem:$0x3FB5];
	_ =	sdelay $0x3  }
0x34: {  	[smem:$0x3FB5] =	sst s10  }
0x35: {  	s10 =	sld [smem:$0x3FB4];
	_ =	sdelay $0x3  }
0x36: {  	p1 =	seq.s32 s10, $0x1;
	s10 =	sld [smem:$0x3FB5];
	_ =	sdelay $0x3  }
0x37: {  	[smem:$0x3FB5] =	sst s10  }
0x38: {  	s10 =	sld [smem:$0x3FB6]  }
0x39: {  	_ = 	snop;
	(pc) =	sbr.ind lr, $3  }
0x3a: {  	_ = 	snop  }
0x3b: {  	_ = 	snop  }
0x3c: {  	p2 =	seq.s32 s10, $0x1;
	s10 =	sld [smem:$0x3FB5]  }
0x3d: {  	_ =	shalt  }
0x3e: {  	_ =	shalt  }
0x3f: {  	_ =	shalt  }
0x40: {  	_ =	shalt  }
0x41: {  	_ =	shalt  }
0x42: {  	_ =	shalt  }
0x43: {  	_ =	shalt  }
0x44: {  	_ =	shalt  }
0x45: {  	_ =	shalt  }
0x46: {  	_ =	shalt  }
0x47: {  	_ =	shalt  }
0x48: {  	_ =	shalt  }
0x49: {  	_ =	shalt  }
0x4a: {  	_ =	shalt  }
0x4b: {  	_ =	shalt  }
0x4c: {  	_ =	shalt  }
0x4d: {  	_ =	shalt  }
0x4e: {  	_ =	shalt  }
0x4f: {  	_ =	shalt  }
0x50: {  	_ =	shalt  }
0x51: {  	_ =	shalt  }
0x52: {  	_ =	shalt  }
0x53: {  	_ =	shalt  }
0x54: {  	_ =	shalt  }
0x55: {  	_ =	shalt  }
0x56: {  	_ =	shalt  }
0x57: {  	_ =	shalt  }
0x58: {  	_ =	shalt  }
0x59: {  	_ =	shalt  }
0x5a: {  	_ =	shalt  }
0x5b: {  	_ =	shalt  }
0x5c: {  	_ =	shalt  }
0x5d: {  	_ =	shalt  }
0x5e: {  	_ =	shalt  }
0x5f: {  	_ =	shalt  }
0x60: {  	_ =	shalt  }
0x61: {  	_ =	shalt  }
0x62: {  	_ =	shalt  }
0x63: {  	_ =	shalt  }
0x64: {  	_ =	shalt  }
0x65: {  	_ =	shalt  }
0x66: {  	_ =	shalt  }
0x67: {  	_ =	shalt  }
0x68: {  	_ =	shalt  }
0x69: {  	_ =	shalt  }
0x6a: {  	_ =	shalt  }
0x6b: {  	_ =	shalt  }
0x6c: {  	_ =	shalt  }
0x6d: {  	_ =	shalt  }
0x6e: {  	_ =	shalt  }
0x6f: {  	_ =	shalt  }
0x70: {  	_ =	shalt  }
0x71: {  	_ =	shalt  }
0x72: {  	_ =	shalt  }
0x73: {  	_ =	shalt  }
0x74: {  	_ =	shalt  }
0x75: {  	_ =	shalt  }
0x76: {  	_ =	shalt  }
0x77: {  	_ =	shalt  }
0x78: {  	_ =	shalt  }
0x79: {  	_ =	shalt  }
0x7a: {  	_ =	shalt  }
0x7b: {  	_ =	shalt  }
0x7c: {  	_ =	shalt  }
0x7d: {  	_ =	shalt  }
0x7e: {  	_ =	shalt  }
0x7f: {  	_ =	shalt  }
0x80: {  	_ =	shalt  }
0x81: {  	_ =	shalt  }
0x82: {  	_ =	shalt  }
0x83: {  	_ =	shalt  }
0x84: {  	_ =	shalt  }
0x85: {  	_ =	shalt  }
0x86: {  	_ =	shalt  }
0x87: {  	_ =	shalt  }
.Lfunc_end0:
.L_simem_size_0:
called_computation.1_lowered:
.L_overlay_start_0:
0x88: {  	s0 =	sld [smem:$0x3FD9]  }
0x89: {  	s1 =	sld [smem:$0x3FFE];
	_ =	sdelay $0x3  }
0x8a: {  	s0 =	sadd.s32 s1, s0  }
0x8b: {  	[smem:$0x3FC1] =	sst s0  }
0x8c: {  	_ = 	snop  }
0x8d: {  	(tm) =	ssettm $0x1  }
0x8e: {  	s14 =	sld [smem:$0x3FFB];
	_ =	sdelay $0x3  }
0x8f: {  	_ =	strace s14  }
0x90: {  	s0 =	sld [smem:$0x3FFC];
	_ =	sdelay $0x3  }
0x91: {  	_ =	strace s0  }
0x92: {  	s0 =	sld [smem:$0x3FFD];
	_ =	sdelay $0x3  }
0x93: {  	_ =	strace s0  }
0x94: {  	_ =	strace $0x8FFFFFFF  }
0x95: {  	s15 =	sld [smem:$0x3FDB];
	_ =	sdelay $0x1  }
0x96: {  	s16 =	simm.s32 $_scs_section_size  }
0x97: {  	s2 =	simm.s32 $_size__tile_overlayer_lowered;
	s3 =	simm.s32 $_tile_overlayer_lowered  }
0x98: {  	s4 =	simm.s32 $0x1BFF;
	s17 =	sshll.u32 s3, $0x1;
	s1 =	sadd.s32 s16, s15  }
0x99: {  	s18 =	simm.s32 $0x0;
	s2 =	sshll.u32 s2, $0x1;
	s3 =	sadd.s32 s17, s1  }
0x9a: {  	[timem:s18], [sflag:s4] =	dma.local [hbm:s3], s2  }
0x9b: {  	_ =	swait.ge [sflag:s4], s2  }
0x9c: {  	s2 =	ssub.s32 $0x0, s2;
	[sflag:s4] =	ssyncset.done $0x0  }
0x9d: {  	[sflag:s4] =	ssyncadd.s32 s2;
	_ =	sdelay $0x1  }
0x9e: {  	s19 =	simm.s32 $0x1B8B  }
0x9f: {  	_ =	swait.ge [sflag:s19], $0x1  }
0xa0: {  	[sflag:s19] =	ssyncset.done $0x0  }
0xa1: {  	s21 =	simm.s32 $0x1B8E;
	s20 =	sld [smem:$0x3FFE];
	[sflag:s19] =	ssyncadd.s32 $0xFFFFFFFF  }
0xa2: {  	s22 =	simm.s32 $execute0_lowered;
	[smem:$0x3FD2] =	sst s21  }
0xa3: {  	s3 =	sshll.u32 s22, $0x1;
	_ =	strace $0x80000052;
	[dreg:$0x1] =	wrdreg $0xFFFFFFFF  }
0xa4: {  	s23 =	simm.s32 $_size_execute0_lowered;
	s3 =	sadd.s32 s1, s3;
	[dreg:$0x0] =	wrdreg $0x0  }
0xa5: {  	s4 =	sshll.u32 s23, $0x1;
	[dreg:$0x2] =	wrdreg s3  }
0xa6: {  	[dreg:$0x3] =	wrdreg s4  }
0xa7: {  	[dreg:$0x4] =	wrdreg $0xC0  }
0xa8: {  	s24 =	simm.s32 $execute1_lowered;
	_ =	task [dreg:s18], $0x5FFFF  }
0xa9: {  	s3 =	sshll.u32 s24, $0x1;
	[dreg:$0x1] =	wrdreg $0xFFFFFFFF  }
0xaa: {  	s1 =	sadd.s32 s1, s3;
	[dreg:$0x0] =	wrdreg $0x60  }
0xab: {  	[dreg:$0x2] =	wrdreg s1  }
0xac: {  	[dreg:$0x3] =	wrdreg s20  }
0xad: {  	[dreg:$0x4] =	wrdreg $0x9  }
0xae: {  	_ =	task.clear_ibuf [dreg:s18], $0x5FFFF;
	_ =	strace $0x90000052  }
0xaf: {  	s25 =	simm.s32 $0x9;
	_ =	strace $0x80000054  }
0xb0: {  	_ =	swait.ge [sflag:s25], $0x1  }
0xb1: {  	[sflag:s25] =	ssyncadd.s32 $0xFFFFFFFF  }
0xb2: {  	_ =	strace $0x90000054  }
0xb3: {  	_ =	strace $0x80000055;
	[dreg:$0x1] =	wrdreg $0xFFFFFFFF  }
0xb4: {  	[dreg:$0x0] =	wrdreg $0x2030  }
0xb5: {  	[dreg:$0x2] =	wrdreg s20  }
0xb6: {  	[dreg:$0x3] =	wrdreg $0xA  }
0xb7: {  	_ =	task.clear_ibuf [dreg:s18], $0x4FFFF;
	_ =	strace $0x90000055  }
0xb8: {  	s26 =	simm.s32 $0xA;
	_ =	strace $0x80000057  }
0xb9: {  	_ =	swait.ge [sflag:s26], $0x1  }
0xba: {  	[sflag:s26] =	ssyncadd.s32 $0xFFFFFFFF  }
0xbb: {  	_ =	strace $0x90000057  }
0xbc: {  	_ =	sfence  }
0xbd: {  	s28 =	sld [smem:$0x0];
	_ =	sdelay $0x1  }
0xbe: {  	s29 =	srdreg.scid  }
0xbf: {  	s30 =	sshll.u32 s29, $0xD;
	s31 =	sshrl.u32 s29, $0x2  }
0xc0: {  	s2 =	sand.u32 $0x1, s29;
	s3 =	sand.u32 $0x4000, s30;
	s1 =	sadd.s32 s31, s28  }
0xc1: {  	s2 =	sor.u32 s3, s2;
	s1 =	sshll.u32 s1, $0x11  }
0xc2: {  	s1 =	sor.u32 s1, s2  }
0xc3: {  	s1 =	sadd.s32 $0x8F2B, s1  }
0xc4: {  	[sflag:s1] =	ssyncadd.remote.s32 $0x1  }
0xc5: {  	_ =	sfence.sel $0xFFFF  }
0xc6: {  	[dreg:$0x0] =	wrdreg $0xFFFFFFFF;
	(pc) =	sbr.abs _section_cstart, $3  }
0xc7: {  	[dreg:$0x1] =	wrdreg $0xFFFFFFFF  }
0xc8: {  	_ =	task.clear_ibuf [dreg:s18], $0x2FFFF;
	_ =	strace $0x9FFFFFFF  }
0xc9: {  	(tm) =	ssettm $0x7FFFFFFF  }
tec
execute0_lowered:
.L_overlay_start_1:
0x0: {  	(tag) =	ssettag $0x1  }
0x1: {  	s2 =	rddreg [dreg:$0x0]  }
0x2: {  	s4 =	rddreg [dreg:$0x1]  }
0x3: {  	s0 =	rddreg [dreg:$0x2];
	s3 =	stileid.u32  }
0x4: {  	[bflag:$0x3] =	sbarrier.arrive $0xFFFF;
	s1 =	simm.s32 $_size_execute1_lowered;
	p0 =	sne.s32 s3, $0x0  }
0x5: {  	s1 =	sshll.u32 s1, $0x1;
	s5 =	simm.s32 @!p0 $0x1C3F;
	s6 =	simm.s32 @!p0 $0x4060  }
0x6: {  	[timem:s6], [sflag:s5] =	dma.local @!p0 [hbm:s2], s1  }
0x7: {  	s2 =	smul.u32 $0xC40, s3  }
.Ltmp0:
0x8: {  	s31 =	simm.s32 $0x2;
	s7 =	simm.s32 $0xC40;
	(pc) =	sbr.rel .LBB2_1-.Ltmp0, $4  }
0x9: {  	s8 =	simm.s32 $0x24C0;
	s10 =	simm.s32 $0x0;
	s9 =	simm.s32 $0x0  }
0xa: {  	s3 =	simm.s32 $0x1;
	_ =	strace $0x80000053;
	s30 =	sshrl.u32 s2, $0x3  }
0xb: {  	s6 =	simm.s32 $0x0;
	[sflag:s3] =	ssyncpa.u1 $0x0;
	s5 =	sadd.s32 s30, s4  }
0xc: {  	s4 =	sadd.s32 $0x112000, s4;
	[sflag:s31] =	ssyncpa.u1 $0x0;
	s5 =	sadd.s32 $0x129000, s5  }
.LBB2_9:
0xd: {  	p1 =	seq.s32 s9, $0x2  }
.Ltmp1:
0xe: {  	_ = 	snop;
	(pc) =	sbr.rel @p1 .LBB2_11-.Ltmp1, $1  }
0xf: {  	_ =	sdelay $0x3  }
.LBB2_10:
0x10: {  	s9 =	sadd.s32 $0x1, s9;
	s10 =	smov.u32 s2  }
.LBB2_1:
0x11: {  	p1 =	sne.s32 s9, $0x0  }
.Ltmp2:
0x12: {  	_ = 	snop;
	(pc) =	sbr.rel @!p1 .LBB2_2-.Ltmp2, $1  }
0x13: {  	_ =	sdelay $0x3  }
0x14: {  	s11 =	sand.u32 $0x1, s9  }
0x15: {  	p1 =	seq.s32 s11, $0x0  }
.Ltmp3:
0x16: {  	_ = 	snop;
	(pc) =	sbr.rel @p1 .LBB2_9-.Ltmp3, $1  }
0x17: {  	_ =	sdelay $0x3  }
0x18: {  	_ =	swait.ge [sflag:s3], $0xC40  }
0x19: {  	[sflag:s3] =	ssyncset.done $0x0  }
0x1a: {  	s16 =	simm.s32 $0xD30;
	[sflag:s3] =	ssyncadd.s32 $0xFFFFF3C0  }
0x1b: {  	v0 =	vld [tilespmem:s16+$0x0]  }
0x1c: {  	v1 =	vld [tilespmem:s16+$0xFFFFFF20]  }
0x1d: {  	v2 =	vld [tilespmem:s16+$0xFFFFFF30]  }
0x1e: {  	v3 =	vld [tilespmem:s16+$0xFFFFFF40]  }
0x1f: {  	s11 =	simm.s32 $0x25B0;
	v4 =	vld [tilespmem:s16+$0xFFFFFF50]  }
0x20: {  	v5 =	vld [tilespmem:s16+$0xFFFFFF60];
	[tilespmem:s11+$0x0] =	vst v0  }
0x21: {  	[tilespmem:s11+$0xFFFFFF20] =	vst v1;
	v0 =	vld [tilespmem:s16+$0xFFFFFF70]  }
0x22: {  	[tilespmem:s11+$0xFFFFFF30] =	vst v2;
	v1 =	vld [tilespmem:s16+$0xFFFFFF80]  }
0x23: {  	[tilespmem:s11+$0xFFFFFF40] =	vst v3;
	v2 =	vld [tilespmem:s16+$0xFFFFFF90]  }
0x24: {  	[tilespmem:s11+$0xFFFFFF50] =	vst v4;
	v3 =	vld [tilespmem:s16+$0xFFFFFFA0]  }
0x25: {  	[tilespmem:s11+$0xFFFFFF60] =	vst v5;
	v5 =	vld [tilespmem:s16+$0xFFFFFFB0]  }
0x26: {  	[tilespmem:s11+$0xFFFFFF70] =	vst v0;
	v0 =	vld [tilespmem:s16+$0xFFFFFFC0]  }
0x27: {  	[tilespmem:s11+$0xFFFFFF80] =	vst v1;
	v1 =	vld [tilespmem:s16+$0xFFFFFFD0]  }
0x28: {  	[tilespmem:s11+$0xFFFFFF90] =	vst v2;
	v2 =	vld [tilespmem:s16+$0xFFFFFFE0]  }
0x29: {  	s15 =	simm.s32 $0x0;
	s12 =	simm.s32 $0xBF0;
	[tilespmem:s11+$0xFFFFFFA0] =	vst v3;
	v3 =	vld [tilespmem:s16+$0xFFFFFFF0]  }
0x2a: {  	s13 =	simm.s32 $0x30C0;
	s14 =	simm.s32 $0x1840;
	v4 =	vld [tilespmem:s16+$0xFFFFFF10];
	[tilespmem:s11+$0xFFFFFFB0] =	vst v5;
	s16 =	simm.s32 $0xE30  }
.LBB2_5:
0x2b: {  	v5 =	vld [tilespmem:s16+$0x0];
	s15 =	sadd.s32 $0x100, s15;
	[tilespmem:s11+$0xFFFFFFC0] =	vst v0  }
0x2c: {  	v0 =	vld [tilespmem:s16+$0xFFFFFF20];
	p1 =	slt.u32 s15, $0xB00;
	[tilespmem:s11+$0xFFFFFFD0] =	vst v1  }
0x2d: {  	v1 =	vld [tilespmem:s16+$0xFFFFFF30];
	[tilespmem:s11+$0xFFFFFFE0] =	vst v2  }
0x2e: {  	v2 =	vld [tilespmem:s16+$0xFFFFFF40];
	[tilespmem:s11+$0xFFFFFFF0] =	vst v3  }
0x2f: {  	v3 =	vld [tilespmem:s16+$0xFFFFFF50];
	[tilespmem:s11+$0xFFFFFF10] =	vst v4;
	s11 =	sadd.s32 $0x100, s11  }
0x30: {  	v4 =	vld [tilespmem:s16+$0xFFFFFF60];
	[tilespmem:s11+$0x0] =	vst v5  }
0x31: {  	[tilespmem:s11+$0xFFFFFF20] =	vst v0;
	v0 =	vld [tilespmem:s16+$0xFFFFFF70]  }
0x32: {  	[tilespmem:s11+$0xFFFFFF30] =	vst v1;
	v1 =	vld [tilespmem:s16+$0xFFFFFF80]  }
0x33: {  	[tilespmem:s11+$0xFFFFFF40] =	vst v2;
	v2 =	vld [tilespmem:s16+$0xFFFFFF90]  }
0x34: {  	[tilespmem:s11+$0xFFFFFF50] =	vst v3;
	v3 =	vld [tilespmem:s16+$0xFFFFFFA0]  }
0x35: {  	[tilespmem:s11+$0xFFFFFF60] =	vst v4;
	v5 =	vld [tilespmem:s16+$0xFFFFFFB0]  }
.Ltmp4:
0x36: {  	[tilespmem:s11+$0xFFFFFF70] =	vst v0;
	v0 =	vld [tilespmem:s16+$0xFFFFFFC0];
	(pc) =	sbr.rel @p1 .LBB2_5-.Ltmp4, $4  }
0x37: {  	[tilespmem:s11+$0xFFFFFF80] =	vst v1;
	v1 =	vld [tilespmem:s16+$0xFFFFFFD0]  }
0x38: {  	[tilespmem:s11+$0xFFFFFF90] =	vst v2;
	v2 =	vld [tilespmem:s16+$0xFFFFFFE0]  }
0x39: {  	[tilespmem:s11+$0xFFFFFFA0] =	vst v3;
	v3 =	vld [tilespmem:s16+$0xFFFFFFF0]  }
0x3a: {  	v4 =	vld [tilespmem:s16+$0xFFFFFF10];
	[tilespmem:s11+$0xFFFFFFB0] =	vst v5;
	s16 =	sadd.s32 $0x100, s16  }
0x3b: {  	[tilespmem:s11+$0xFFFFFFC0] =	vst v0  }
0x3c: {  	[tilespmem:s11+$0xFFFFFFD0] =	vst v1  }
0x3d: {  	[tilespmem:s11+$0xFFFFFFE0] =	vst v2  }
0x3e: {  	[tilespmem:s11+$0xFFFFFFF0] =	vst v3  }
0x3f: {  	[tilespmem:s11+$0xFFFFFF10] =	vst v4  }
.LBB2_7:
0x40: {  	s12 =	sadd.s32 $0x10, s12  }
0x41: {  	v0 =	vld [tilespmem:s14+$0x0];
	p1 =	slt.u32 s12, $0xC30  }
.Ltmp5:
0x42: {  	_ = 	snop;
	(pc) =	sbr.rel @p1 .LBB2_7-.Ltmp5, $2  }
0x43: {  	_ =	sdelay $0x2  }
0x44: {  	s14 =	sadd.s32 $0x10, s14;
	[tilespmem:s13+$0x0] =	vst v0;
	s13 =	sadd.s32 $0x10, s13  }
.Ltmp6:
0x45: {  	(pc) =	sbr.rel .LBB2_9-.Ltmp6, $4  }
0x46: {  	_ = 	snop  }
0x47: {  	s10 =	sshrl.u32 s10, $0x3  }
0x48: {  	s10 =	sadd.s32 s4, s10  }
0x49: {  	[hbm4b:s10+s6] =	stream.linear.scatter [tilespmem:s8], [sflag:$0x2], $0xC40, $0x38;
	[tilespmem:$0x3100] =	vst v63  }
.LBB2_2:
.Ltmp7:
0x4a: {  	(pc) =	sbr.rel .LBB2_10-.Ltmp7, $2  }
0x4b: {  	_ =	sdelay $0x2  }
0x4c: {  	[tilespmem:s7], [sflag:$0x1] =	stream.linear.gather [hbm4b:s5+s6], $0xC40, $0x38;
	[tilespmem:$0x3100] =	vst v63  }
.LBB2_11:
0x4d: {  	s2 =	simm.s32 $0x2  }
0x4e: {  	_ =	swait.ge [sflag:s2], $0xC40  }
0x4f: {  	[sflag:s2] =	ssyncset.done $0x0  }
0x50: {  	[sflag:s2] =	ssyncadd.s32 $0xFFFFF3C0  }
0x51: {  	_ =	sfence.sel $0x180000  }
0x52: {  	s3 =	simm.s32 $0x1;
	[bflag:$0x0] =	sbarrier.arrive $0xFFFF  }
0x53: {  	[sflag:s3] =	ssyncpa.u1 $0x1  }
0x54: {  	[sflag:s2] =	ssyncpa.u1 $0x1  }
0x55: {  	_ =	strace $0x90000053  }
0x56: {  	s0 =	sadd.s32 @!p0 $0x100000, s0;
	[bflag:$0x2] =	sbarrier.arrive $0xFFFF  }
0x57: {  	[sflag:s0] =	ssyncadd.tile.s32 @!p0 $0x1;
	s0 =	simm.s32 @!p0 $0x3F  }
0x58: {  	_ =	swait.ge @!p0 [sflag:s0], s1  }
0x59: {  	s1 =	ssub.s32 @!p0 $0x0, s1;
	[sflag:s0] =	ssyncset.done @!p0 $0x0  }
0x5a: {  	[sflag:s0] =	ssyncadd.s32 @!p0 s1  }
0x5b: {  	[bflag:$0x3] =	sbarrier.arrive $0xFFFF  }
0x5c: {  	_ =	shalt  }
.Lfunc_end2:
execute1_lowered:
.L_overlay_start_2:
0x5d: {  	(tag) =	ssettag $0x2  }
0x5e: {  	s0 =	rddreg [dreg:$0x0];
	s14 =	stileid.u32  }
0x5f: {  	_ =	strace $0x80000056;
	s2 =	simm.s32 $0x1;
	s1 =	smul.u32 $0xC, s14  }
0x60: {  	v1 =	vimm.s32 $0xFFFFFFFF;
	s3 =	smin.u32 s14, $0x8;
	[sflag:s2] =	ssyncpa.u1 $0x0  }
0x61: {  	[tilespmem:$0x10] =	vst v1;
	s1 =	sadd.s32 s3, s1  }
0x62: {  	v0 =	vimm.f32 $0.0e+00;
	p0 =	slt.u32 s14, $0x8;
	[tilespmem:$0x20] =	vst v1;
	s3 =	smul.u32 $0x1F40, s1;
	s1 =	simm.s32 $0x19640  }
0x63: {  	[tilespmem:$0x30] =	vst v0;
	s1 =	simm.s32 @!p0 $0x17700  }
0x64: {  	[tilespmem:$0x40] =	vst v0;
	s1 =	sadd.s32 s1, s3  }
0x65: {  	[tilespmem:$0x50] =	vst v0;
	s4 =	smin.u32 s1, $0x186A00  }
0x66: {  	[tilespmem:$0x60] =	vst v1;
	s9 =	ssub.s32 s4, s3  }
0x67: {  	s7 =	simm.s32 $0x2;
	s8 =	simm.s32 $0x8;
	[tilespmem:$0x70] =	vst v1;
	p0 =	sgt.s32 s9, $0x0  }
0x68: {  	s31 =	simm.s32 $0x9;
	s16 =	simm.s32 $0x0;
	[tilespmem:$0x80] =	vst v1;
	s9 =	simm.s32 @!p0 $0x0  }
0x69: {  	s17 =	simm.s32 $0xF0;
	s18 =	simm.s32 $0xFFFFFFFF;
	v1 =	vimm.s32 $0x0;
	[tilespmem:$0xB0] =	vst v0;
	s5 =	smulhi.u32 $0x10624DD3, s9  }
0x6a: {  	s19 =	simm.s32 $0xFFFFC280;
	s20 =	simm.s32 $0xFFFFFFFE;
	s21 =	simm.s32 $0xF;
	[tilespmem:$0x90] =	vst v1  }
0x6b: {  	[tilespmem:$0xA0] =	vst v1;
	[sflag:s7] =	ssyncpa.u1 $0x0;
	s7 =	simm.s32 $0x7;
	s10 =	sshrl.u32 s5, $0x9  }
0x6c: {  	s25 =	simm.s32 $0x0;
	[sflag:s7] =	ssyncpa.u1 $0x0;
	s11 =	smul.u32 $0x1F40, s10  }
0x6d: {  	s24 =	simm.s32 $0x0;
	s6 =	sadd.s32 $0x32C00, s0;
	[sflag:s8] =	ssyncpa.u1 $0x0  }
.Ltmp8:
0x6e: {  	[sflag:s31] =	ssyncpa.u1 $0x0;
	p0 =	sne.s32 s9, s11;
	(pc) =	sbr.rel .LBB3_1-.Ltmp8, $4  }
0x6f: {  	s23 =	smov.u32 s3;
	s1 =	sadd.s32 $0x112000, s0;
	s2 =	simm.s32 @!p0 $0x0  }
0x70: {  	s5 =	sadd.s32 $0x1E00, s0;
	p0 =	por $0x0, $0x0;
	s9 =	sadd.s32 s2, s10  }
0x71: {  	vm0 =	vmmov $0xffff;
	v2 =	vlaneseq.u32;
	s10 =	sshll.u32 s14, $0x1;
	s14 =	sshllo.u32 s14, $0x1;
	s11 =	sadd.s32 $0x1, s9  }
0x72: {  	vm1 =	vmxor vm1, vm1;
	vm2 =	vmmov $0x1;
	vm3 =	vcmask $0x3F3C;
	s12 =	sadd.s32 $0x2, s9;
	s13 =	sor.u32 $0x81, s10;
	s15 =	sor.u32 $0x80, s10  }
.LBB3_9:
0x73: {  	p1 =	slt.u32 s24, $0x3  }
0x74: {  	s0 =	simm.s32 @!p1 $0x2  }
0x75: {  	_ =	swait.ge @!p1 [sflag:s0], $0x1F40  }
0x76: {  	[sflag:s0] =	ssyncset.done @!p1 $0x0  }
0x77: {  	[sflag:s0] =	ssyncadd.s32 @!p1 $0xFFFFE0C0;
	s0 =	simm.s32 @!p1 $0x9  }
0x78: {  	_ =	swait.ge @!p1 [sflag:s0], $0x10  }
0x79: {  	[sflag:s0] =	ssyncset.done @!p1 $0x0  }
0x7a: {  	[sflag:s0] =	ssyncadd.s32 @!p1 $0xFFFFFFF0;
	p1 =	sne.s32 s24, s12  }
.Ltmp9:
0x7b: {  	s2 =	sadd.s32 $0x1F40, s23;
	(pc) =	sbr.rel @!p1 .LBB3_10-.Ltmp9, $4  }
0x7c: {  	s22 =	smov.u32 s3;
	s31 =	sadd.s32 $0x1, s24;
	s17 =	sadd.s32 $0x1F40, s17  }
0x7d: {  	s18 =	sadd.s32 $0x1, s18;
	s25 =	smov.u32 s23;
	p2 =	slt.s32 s2, s4  }
0x7e: {  	p0 =	por !p0, !p0;
	s19 =	sadd.s32 $0x1F40, s19;
	s22 =	smov.u32 @p2 s2  }
0x7f: {  	s20 =	sadd.s32 $0x1, s20;
	s23 =	smov.u32 s22;
	s24 =	smov.u32 s31  }
.LBB3_1:
0x80: {  	p1 =	sge.u32 s24, s9  }
0x81: {  	s0 =	smulhi.u32 @!p1 $0xAAAAAAAB, s24;
	_ =	sdelay $0x1  }
0x82: {  	s0 =	sshrl.u32 @!p1 s0, $0x1  }
0x83: {  	s0 =	smul.u32 @!p1 $0x3, s0;
	_ =	sdelay $0x1  }
0x84: {  	s0 =	ssub.s32 @!p1 s24, s0  }
0x85: {  	s0 =	smul.u32 @!p1 $0x7D00, s0;
	_ =	sdelay $0x1  }
0x86: {  	s2 =	sshrl.u32 @!p1 s23, $0x3;
	s0 =	sshrl.u32 @!p1 s0, $0x2  }
0x87: {  	s22 =	sand.u32 @!p1 $0x7, s23;
	s2 =	sadd.s32 @!p1 s5, s2;
	s0 =	sadd.s32 @!p1 $0x100, s0  }
0x88: {  	[tilespmem:s0], [sflag:$0x7] =	stream.linear.gather @!p1 [hbm4b:s2+s22], $0x1F40, $0x38;
	[tilespmem:$0x11A60] =	vst v63  }
0x89: {  	s0 =	sadd.s32 $0xFFFFFFFF, s24  }
0x8a: {  	p1 =	sge.u32 s0, s9  }
.Ltmp10:
0x8b: {  	_ = 	snop;
	(pc) =	sbr.rel @p1 .LBB3_5-.Ltmp10, $1  }
0x8c: {  	_ =	sdelay $0x3  }
0x8d: {  	s2 =	smulhi.u32 $0xAAAAAAAB, s0;
	_ =	sdelay $0x1  }
0x8e: {  	s2 =	sshrl.u32 s2, $0x1  }
0x8f: {  	s2 =	smul.u32 $0x3, s2;
	_ =	sdelay $0x1  }
0x90: {  	s2 =	ssub.s32 s0, s2  }
0x91: {  	s2 =	smul.u32 $0x7D00, s2  }
0x92: {  	_ =	swait.ge [sflag:s7], $0x1F40  }
0x93: {  	[sflag:s7] =	ssyncset.done $0x0;
	s2 =	sshrl.u32 s2, $0x2  }
0x94: {  	[sflag:s7] =	ssyncadd.s32 $0xFFFFE0C0;
	(ifvalue) =	ssetifvalue $0xFFFFFFFF;
	v3 =	vld.msk [tilespmem:s2+$0x100 ss:$0x1], $0xffff;
	_ =	sdelay $0x2  }
0x95: {  	s30 =	smulhi.u32 $0xAAAAAAAB, s18;
	p1 =	sne.s32 s24, $0x1  }
0x96: {  	v4 =	vimm.s32 @!p1 $0x0  }
0x97: {  	s2 =	sshrl.u32 s30, $0x1;
	v4 =	vperm.xlane @!p1 v3, v4  }
0x98: {  	s22 =	sshll.u32 s24, $0x4;
	s2 =	smul.u32 $0xFFFE8900, s2;
	vm4 =	vlt.u32 v3, $0xC400  }
0x99: {  	s22 =	sand.u32 $0x10, s22;
	v3 =	vnsel vm4, $0xFFFFFFFE, v3;
	vm4 =	vlt.u32 @!p1 v4, $0xC400  }
0x9a: {  	s2 =	sshra.s32 s2, $0x2;
	[tilespmem:s22+$0x60] =	vst v3;
	v3 =	vnsel @!p1 vm4, $0xFFFFFFFE, v4  }
0x9b: {  	s28 =	sadd.s32 s2, s17;
	[tilespmem:$0x80] =	vst @!p1 v3  }
0x9c: {  	v3 =	vld.msk [tilespmem:s28+$0x0 ss:$0x1], $0xffff;
	_ =	sdelay $0x4  }
0x9d: {  	(xrf1) =	vunique.msk.u32 $0xffff, v3;
	_ =	sdelay $0xd  }
0x9e: {  	v4 =	vimm.s32 $0xFFFFFFFF;
	v5, _, _ =	vpop (xrf1)  }
0x9f: {  	vm5 =	vne.s32 v3, v4;
	vm4 =	veq.s32 v5, v2  }
0xa0: {  	vm6 =	vlt.u32 v3, $0xC400;
	vm4 =	vmand vm5, vm4  }
0xa1: {  	vm4 =	vmand vm6, vm4  }
0xa2: {  	v4 =	vnsel vm4, $0xFFFFFFFF, v3  }
0xa3: {  	s31 =	sand.u32 $0x1, s0  }
0xa4: {  	s0 =	simm.s32 $0x1F40;
	p1 =	seq.s32 s31, $0x1  }
0xa5: {  	s0 =	simm.s32 @!p1 $0x0  }
0xa6: {  	s26 =	sadd.s32 $0x7DF0, s0;
	(ifvalue) =	ssetifvalue $0xFFFFFFFF  }
0xa7: {  	v3 =	vperm.xlane v3, v1;
	[tilespmem:s26], [sflag:$0x8] =	stream.indirect_vreg.gather [hbm4b:s1+s16], $0x1, v4, vm0, $0x4038;
	v4 =	vnsel vm6, $0xFFFFFFFE, v4;
	[tilespmem:$0x11A60] =	vst v63  }
0xa8: {  	s2 =	simm.s32 $0x0;
	s22 =	sadd.s32 $0xFFFFFFF0, s28;
	[tilespmem:s28+$0x0] =	vst v4  }
.LBB3_3:
0xa9: {  	v4 =	vld.msk [tilespmem:s22+$0x0 ss:$0x1], $0xffff;
	s2 =	sadd.s32 $0x10, s2;
	v5 =	vmov v3;
	s28 =	smov.u32 s22  }
0xaa: {  	p1 =	slt.u32 s2, $0x1F30;
	_ =	sdelay $0x4  }
0xab: {  	v3 =	vperm.xlane v4, v1;
	(xrf1) =	vunique.msk.u32 $0xffff, v4;
	_ =	sdelay $0xd  }
0xac: {  	v6, _, _ =	vpop (xrf1)  }
0xad: {  	vm5 =	vne.s32 v4, v5;
	vm4 =	veq.s32 v6, v2  }
0xae: {  	vm6 =	vlt.u32 v4, $0xC400;
	vm4 =	vmand vm5, vm4  }
0xaf: {  	vm4 =	vmand vm6, vm4  }
0xb0: {  	v4 =	vnsel vm4, $0xFFFFFFFF, v4  }
.Ltmp11:
0xb1: {  	v5 =	vnsel vm6, $0xFFFFFFFE, v4;
	(pc) =	sbr.rel @p1 .LBB3_3-.Ltmp11, $3  }
0xb2: {  	_ =	sdelay $0x1  }
0xb3: {  	s22 =	sadd.s32 $0xFFFFFFF0, s22;
	s26 =	sadd.s32 $0xFFFFFFF0, s26;
	(ifvalue) =	ssetifvalue $0xFFFFFFFF  }
0xb4: {  	[tilespmem:s26], [sflag:$0x8] =	stream.indirect_vreg.gather [hbm4b:s1+s16], $0x1, v4, vm0, $0x4038;
	[tilespmem:s28+$0x0] =	vst v5  }
0xb5: {  	s2 =	sshrl.u32 s25, $0x3  }
0xb6: {  	s0 =	sadd.s32 $0x9D40, s0;
	s2 =	sadd.s32 s6, s2  }
0xb7: {  	[tilespmem:s0], [sflag:$0x8] =	stream.linear.gather [hbm:s2], $0x1F40, $0x38;
	[tilespmem:$0x11A60] =	vst v63  }
.LBB3_5:
0xb8: {  	p1 =	slt.u32 s24, $0x2  }
0xb9: {  	p2 =	sge.u32 @!p1 s24, s12  }
0xba: {  	p1 =	por p1, p2  }
.Ltmp12:
0xbb: {  	_ = 	snop;
	(pc) =	sbr.rel @p1 .LBB3_9-.Ltmp12, $1  }
0xbc: {  	_ =	sdelay $0x3  }
0xbd: {  	s0 =	sadd.s32 $0xFFFFFFFE, s24  }
0xbe: {  	s2 =	smulhi.u32 $0xAAAAAAAB, s0;
	_ =	sdelay $0x1  }
0xbf: {  	s2 =	sshrl.u32 s2, $0x1  }
0xc0: {  	s2 =	smul.u32 $0x3, s2;
	_ =	sdelay $0x1  }
0xc1: {  	s0 =	ssub.s32 s0, s2  }
0xc2: {  	_ =	swait.ge [sflag:s8], $0x3E80;
	s0 =	smul.u32 $0x1F40, s0  }
0xc3: {  	p1 =	sne.s32 s24, s11;
	[sflag:s8] =	ssyncset.done $0x0  }
0xc4: {  	[sflag:s8] =	ssyncadd.s32 $0xFFFFC180;
	s2 =	sadd.s32 @!p1 $0x203F, s0  }
0xc5: {  	[spmem:s13] =	stream.linear.scatter @!p1 [tilespmem:s2], [sflag:$0x1], $0x1, $0x38;
	[tilespmem:$0x11A60] =	vst v63  }
0xc6: {  	s2 =	simm.s32 @!p1 $0x1  }
0xc7: {  	_ =	swait.ge @!p1 [sflag:s2], $0x1  }
0xc8: {  	s22 =	sshll.u32 s24, $0x4;
	[sflag:s2] =	ssyncset.done @!p1 $0x0  }
0xc9: {  	s25 =	sand.u32 $0x10, s22;
	[sflag:s2] =	ssyncadd.s32 @!p1 $0xFFFFFFFF  }
0xca: {  	s2 =	sxor.u32 $0x10, s25;
	v4 =	vld [tilespmem:s25+$0x10]  }
0xcb: {  	v5 =	vld [tilespmem:s2+$0x60]  }
0xcc: {  	v3 =	vld [tilespmem:$0x80];
	_ =	sdelay $0x2  }
0xcd: {  	(v2sf) =	vpush v4, $0x0  }
0xce: {  	(v2sf) =	vpush v5, $0x0  }
0xcf: {  	(v2sf) =	vpush v3, $0x0;
	_ =	sdelay $0xc  }
0xd0: {  	s22 =	spop (v2sf)  }
0xd1: {  	s26 =	spop (v2sf)  }
0xd2: {  	s28 =	spop (v2sf)  }
0xd3: {  	p2 =	seq.s32 s22, s26;
	p3 =	seq.s32 s28, s22  }
0xd4: {  	p3 =	por p2, p3  }
0xd5: {  	s26 =	sand.u32 $0x1, s24;
	v4 =	vpsel p3, $0xFFFFFFFF, v4  }
0xd6: {  	s29 =	smul.u32 $0x1F40, s26;
	[tilespmem:s25+$0x10] =	vst.msk $0x1, v4  }
0xd7: {  	v4 =	vld [tilespmem:$0x30]  }
0xd8: {  	v5 =	vld [tilespmem:s29+$0x9D40]  }
0xd9: {  	v6 =	vld [tilespmem:s25+$0x40];
	_ =	sdelay $0x3  }
0xda: {  	vm4 =	vmmov vm1;
	v5 =	vadd.f32 v5, v4  }
0xdb: {  	vm5 =	vmmov vm2;
	vm4 =	vmmov @p2 vm2;
	s22 =	sshll.u32 s26, $0x4;
	v4 =	vadd.f32 v6, v4  }
0xdc: {  	s26 =	sor.u32 $0x11A40, s22;
	vm5 =	vmmov @p3 vm1;
	[tilespmem:s29+$0x9D40] =	vst.msk vm4, v5  }
0xdd: {  	[tilespmem:s26+$0x0] =	vst.msk vm5, v4  }
0xde: {  	v4 =	vld [tilespmem:s29+$0x7DF0];
	_ =	sdelay $0x3  }
0xdf: {  	v5 =	vimm.f32 $0.0e+00  }
0xe0: {  	v4 =	vshift.insert v4, v5, s21  }
0xe1: {  	s22 =	sor.u32 $0x40, s2  }
0xe2: {  	[tilespmem:s22+$0x0] =	vst.msk $0x1, v4  }
0xe3: {  	[tilespmem:s29+$0x7DFF] =	vst.msk $0x1, v5  }
0xe4: {  	v4 =	vld [tilespmem:s0+$0x2030];
	_ =	sdelay $0x1  }
0xe5: {  	s22 =	smulhi.u32 $0xAAAAAAAB, s20;
	s0 =	simm.s32 $0x1  }
0xe6: {  	s0 =	simm.s32 @!p0 $0x0  }
0xe7: {  	s22 =	sshrl.u32 s22, $0x1;
	s0 =	smul.u32 $0x7D00, s0  }
0xe8: {  	s22 =	smul.u32 $0xFFFE8900, s22;
	v4 =	vshift.insert v4, v1, s21  }
0xe9: {  	s0 =	sshrl.u32 s0, $0x2  }
0xea: {  	s22 =	sshra.s32 s22, $0x2;
	s30 =	sadd.s32 $0x9D40, s0;
	[tilespmem:s2+$0x10] =	vst.msk $0x1, v4  }
0xeb: {  	s22 =	sadd.s32 s22, s19;
	v6 =	vld [tilespmem:s30+$0x0]  }
0xec: {  	v7 =	vld [tilespmem:s22+$0x0];
	_ =	sdelay $0x3  }
0xed: {  	v5 =	vadd.f32 v6, v5  }
0xee: {  	vm4 =	vne.s32 v7, $0xFFFFFFFF  }
0xef: {  	(xrf2) =	vadd.seg.scan.f32 vm4, v5;
	_ =	sdelay $0x3  }
0xf0: {  	s31 =	sadd.s32 $0x5EC0, s0;
	v5 =	vperm.xlane v4, v1  }
0xf1: {  	v6 =	vld [tilespmem:s31+$0x0]  }
0xf2: {  	vm5 =	veq.s32 v7, v3;
	vm6 =	veq.s32 v7, v5  }
0xf3: {  	vm7 =	vgt.u32 v7, $0xFFFFFFFD;
	vm6 =	vmor vm6, vm5  }
0xf4: {  	vm6 =	vmor vm6, vm7  }
0xf5: {  	v9 =	vld [tilespmem:$0xA0];
	v7 =	vsel vm6, $0xFFFFFFFF, v7  }
0xf6: {  	v10 =	vld [tilespmem:$0x90];
	v6 =	vsel vm5, $0x0, v6;
	v8, _, _ =	vpop (xrf2)  }
0xf7: {  	v6 =	vadd.f32 v8, v6  }
0xf8: {  	s0 =	sadd.s32 $0xDBC0, s0  }
0xf9: {  	vm4 =	vmand vm4, vm3;
	[tilespmem:s0+$0x0] =	vst v6;
	(ifvalue) =	ssetifvalue $0xFFFFFFFF  }
0xfa: {  	vm6 =	veq.s32 v9, $0x1;
	[hbm4b:s1+s16] =	stream.indirect_vreg.scatter [tilespmem:s0], [sflag:$0x2], $0x1, v7, vm0, $0x4038;
	v7 =	vsel vm4, $0x0, v8;
	[tilespmem:$0x11A60] =	vst v63  }
0xfb: {  	s2 =	simm.s32 $0x0;
	s22 =	sadd.s32 $0x10, s22;
	vm4 =	vmor vm6, vm5;
	v6 =	vsel vm5, v8, v10;
	v7 =	vshift.insert v7, v0, s21  }
.LBB3_7:
0xfc: {  	v8 =	vld [tilespmem:s22+$0x0];
	s30 =	sadd.s32 $0x10, s30  }
0xfd: {  	s31 =	sadd.s32 $0x10, s31;
	v9 =	vld [tilespmem:s30+$0x0]  }
0xfe: {  	s2 =	sadd.s32 $0x10, s2;
	v10 =	vld [tilespmem:s31+$0x0]  }
0xff: {  	p2 =	slt.u32 s2, $0x1F30;
	_ =	sdelay $0x2  }
0x100: {  	v7 =	vadd.f32 v9, v7  }
0x101: {  	vm5 =	vne.s32 v8, $0xFFFFFFFF  }
0x102: {  	vm6 =	vmand vm5, vm3;
	(xrf2) =	vadd.seg.scan.f32 vm5, v7;
	_ =	sdelay $0x5  }
0x103: {  	vm7 =	veq.s32 v8, v5;
	vm5 =	veq.s32 v8, v3  }
0x104: {  	vm8 =	vgt.u32 v8, $0xFFFFFFFD;
	vm4 =	vmor vm4, vm5;
	vm7 =	vmor vm7, vm5  }
0x105: {  	vm7 =	vmor vm7, vm8  }
0x106: {  	v8 =	vsel vm7, $0xFFFFFFFF, v8  }
.Ltmp13:
0x107: {  	v7 =	vsel vm5, $0x0, v10;
	v9, _, _ =	vpop (xrf2);
	(pc) =	sbr.rel @p2 .LBB3_7-.Ltmp13, $4  }
0x108: {  	v6 =	vsel vm5, v9, v6;
	v10 =	vadd.f32 v9, v7;
	v7 =	vsel vm6, $0x0, v9  }
0x109: {  	s0 =	sadd.s32 $0x10, s0;
	v7 =	vshift.insert v7, v0, s21  }
0x10a: {  	s22 =	sadd.s32 $0x10, s22;
	[tilespmem:s0+$0x0] =	vst v10;
	(ifvalue) =	ssetifvalue $0xFFFFFFFF  }
0x10b: {  	[hbm4b:s1+s16] =	stream.indirect_vreg.scatter [tilespmem:s0], [sflag:$0x2], $0x1, v8, vm0, $0x4038;
	[tilespmem:$0x11A60] =	vst v63  }
0x10c: {  	v3 =	vld [tilespmem:s29+$0xFAF0];
	_ =	sdelay $0x4  }
0x10d: {  	v3 =	vshift.insert v3, v0, s21  }
0x10e: {  	s0 =	simm.s32 $0x30  }
0x10f: {  	[tilespmem:s0+$0x0] =	vst.msk $0x1, v3  }
0x110: {  	v3 =	vsel vm4, $0x1, v1;
	[tilespmem:$0x90] =	vst v6  }
0x111: {  	s0 =	sadd.s32 @!p1 $0xFAFF, s29;
	[tilespmem:$0xA0] =	vst v3  }
0x112: {  	[spmem:s14] =	stream.linear.scatter @!p1 [tilespmem:s0], [sflag:$0x1], $0x1, $0x38;
	[tilespmem:$0x11A60] =	vst v63  }
0x113: {  	s0 =	simm.s32 @!p1 $0x1  }
0x114: {  	v3 =	vmctz.xlane @!p1 vm4;
	_ =	swait.ge @!p1 [sflag:s0], $0x1  }
0x115: {  	(v2sf) =	vpush @!p1 v4, $0x0  }
0x116: {  	(v2sf) =	vpush @!p1 v3, $0x0;
	_ =	sdelay $0xd  }
0x117: {  	s2 =	spop @!p1 (v2sf)  }
0x118: {  	s22 =	spop @!p1 (v2sf)  }
0x119: {  	p2 =	sne.s32 @!p1 s28, s2;
	p3 =	slt.s32 @!p1 s22, $0xF  }
0x11a: {  	[sflag:s0] =	ssyncset.done @!p1 $0x0;
	p2 =	por p2, p1;
	p3 =	por !p3, p1  }
0x11b: {  	[sflag:s0] =	ssyncadd.s32 @!p1 $0xFFFFFFFF;
	v3 =	vimm.s32 @!p2 $0xFFFFFFFF;
	s22 =	simm.s32 @p3 $0xF  }
0x11c: {  	[tilespmem:$0x80] =	vst @!p2 v3;
	s2 =	sadd.s32 @!p1 $0x90, s22  }
0x11d: {  	[spmem:s10] =	stream.linear.scatter @!p1 [tilespmem:s2], [sflag:$0x1], $0x1, $0x38;
	[tilespmem:$0x11A60] =	vst v63  }
0x11e: {  	_ =	swait.ge @!p1 [sflag:s0], $0x1  }
0x11f: {  	[sflag:s0] =	ssyncset.done @!p1 $0x0  }
0x120: {  	s2 =	simm.s32 @!p1 $0x80;
	[sflag:s0] =	ssyncadd.s32 @!p1 $0xFFFFFFFF  }
0x121: {  	[spmem:s15] =	stream.linear.scatter @!p1 [tilespmem:s2], [sflag:$0x1], $0x1, $0x38;
	[tilespmem:$0x11A60] =	vst v63  }
0x122: {  	_ =	swait.ge @!p1 [sflag:s0], $0x1  }
0x123: {  	[sflag:s0] =	ssyncset.done @!p1 $0x0  }
0x124: {  	[sflag:s0] =	ssyncadd.s32 @!p1 $0xFFFFFFFF;
	(ifvalue) =	ssetifvalue $0xFFFFFFFF;
	v3 =	vld [tilespmem:s25+$0x10];
	_ =	sdelay $0x3  }
.Ltmp14:
0x125: {  	_ = 	snop;
	(pc) =	sbr.rel .LBB3_9-.Ltmp14, $3  }
0x126: {  	_ =	sdelay $0x1  }
0x127: {  	(ifvalue) =	ssetifvalue $0xFFFFFFFF  }
0x128: {  	[hbm4b:s1+s16] =	stream.indirect_vreg.scatter [tilespmem:s26], [sflag:$0x9], $0x1, v3, vm0, $0x4038;
	[tilespmem:$0x11A60] =	vst v63  }
.LBB3_10:
0x129: {  	_ =	sfence.sel $0x180000  }
0x12a: {  	s0 =	simm.s32 $0x7;
	[bflag:$0x0] =	sbarrier.arrive $0xFFFF  }
0x12b: {  	s26 =	simm.s32 $0x8;
	[sflag:s0] =	ssyncpa.u1 $0x1  }
0x12c: {  	s28 =	simm.s32 $0x9;
	[sflag:s26] =	ssyncpa.u1 $0x1  }
0x12d: {  	[sflag:s28] =	ssyncpa.u1 $0x1  }
0x12e: {  	_ =	sfence.stream.spmem  }
0x12f: {  	s29 =	simm.s32 $0x3;
	[bflag:$0x0] =	sbarrier.arrive $0xFFFF  }
0x130: {  	s30 =	simm.s32 $0x4;
	[sflag:s29] =	ssyncpa.u1 $0x1  }
0x131: {  	s31 =	simm.s32 $0x3C;
	s2 =	stileid.u32;
	[sflag:s30] =	ssyncpa.u1 $0x1  }
0x132: {  	p0 =	sne.s32 s2, $0x0;
	[sflag:s31] =	ssyncpa.u1 $0x1  }
0x133: {  	s0 =	simm.s32 @p0 $0x1;
	_ =	sfence @p0  }
0x134: {  	[sflag:s0] =	ssyncpa.u1 @p0 $0x1;
	s0 =	simm.s32 @p0 $0x2  }
0x135: {  	[sflag:s0] =	ssyncpa.u1 @p0 $0x1  }
0x136: {  	_ =	strace @p0 $0x90000056  }
0x137: {  	[bflag:$0x2] =	sbarrier.arrive @p0 $0xFFFF  }
0x138: {  	_ =	shalt @p0  }
.LBB3_11:
0x139: {  	_ =	sfence.stream.spmem;
	s0 =	simm.s32 $0x5  }
0x13a: {  	s2 =	simm.s32 $0x80;
	s3 =	simm.s32 $0xC0;
	[sflag:s0] =	ssyncpa.u1 $0x0  }
0x13b: {  	[tilespmem:s3], [sflag:$0x5] =	stream.linear.gather [spmem:s2], $0x20, $0x38;
	[tilespmem:$0x11A60] =	vst v63  }
0x13c: {  	s2 =	simm.s32 $0x0;
	s3 =	simm.s32 $0xE0  }
0x13d: {  	[tilespmem:s3], [sflag:$0x5] =	stream.linear.gather [spmem:s2], $0x20, $0x38;
	[tilespmem:$0x11A60] =	vst v63  }
.Ltmp15:
0x13e: {  	_ = 	snop;
	(pc) =	sbr.rel .LBB3_12-.Ltmp15, $4  }
0x13f: {  	_ =	swait.ge [sflag:s0], $0x40  }
0x140: {  	[sflag:s0] =	ssyncset.done $0x0  }
0x141: {  	s31 =	simm.s32 $0x6;
	[sflag:s0] =	ssyncadd.s32 $0xFFFFFFC0  }
0x142: {  	s4 =	simm.s32 $0x0;
	[sflag:s31] =	ssyncpa.u1 $0x0  }
.LBB3_17:
0x143: {  	p0 =	sgt.u32 s5, $0xC3FF  }
0x144: {  	s0 =	sshrl.u32 @!p0 s5, $0x3  }
0x145: {  	s5 =	sand.u32 @!p0 $0x7, s5;
	s6 =	simm.s32 @!p0 $0xB0;
	s0 =	sadd.s32 @!p0 s1, s0  }
0x146: {  	[tilespmem:s6], [sflag:$0x6] =	stream.linear.gather @!p0 [hbm4b:s0+s5], $0x1, $0x38;
	[tilespmem:$0x11A60] =	vst v63  }
0x147: {  	s0 =	simm.s32 @!p0 $0x6  }
0x148: {  	_ =	swait.ge @!p0 [sflag:s0], $0x1  }
0x149: {  	[sflag:s0] =	ssyncset.done @!p0 $0x0  }
0x14a: {  	[sflag:s0] =	ssyncadd.s32 @!p0 $0xFFFFFFFF  }
0x14b: {  	v2 =	vmov @!p0 s4;
	v1 =	vld.msk @!p0 [tilespmem:$0xB0], $0x1;
	_ =	sdelay $0x3  }
0x14c: {  	s0 =	simm.s32 @!p0 $0xE0  }
0x14d: {  	[tilespmem:v2+s0+$0x0], v1 =	vst.idx.ret.add.f32.msk @!p0 $0x1, v1  }
0x14e: {  	[tilespmem:s2+$0xC0] =	vst.msk $0x1, v0  }
0x14f: {  	v0 =	vld.msk [tilespmem:s4+$0xE0], $0x1;
	_ =	sdelay $0x4  }
0x150: {  	[tilespmem:s2+$0xE0] =	vst.msk $0x1, v0;
	s2 =	sadd.s32 $0x1, s2  }
.LBB3_19:
0x151: {  	s4 =	sadd.s32 $0x1, s4  }
0x152: {  	p0 =	sne.s32 s4, $0x20  }
.Ltmp16:
0x153: {  	_ = 	snop;
	(pc) =	sbr.rel @!p0 .LBB3_20-.Ltmp16, $1  }
0x154: {  	_ =	sdelay $0x3  }
.LBB3_12:
0x155: {  	v0 =	vld.msk [tilespmem:s4+$0xC0], $0x1;
	_ =	sdelay $0x4  }
0x156: {  	(v2sf) =	vpush v0, $0x0;
	_ =	sdelay $0xe  }
0x157: {  	s5 =	spop (v2sf)  }
0x158: {  	p0 =	seq.s32 s5, $0xFFFFFFFF  }
.Ltmp17:
0x159: {  	_ = 	snop;
	(pc) =	sbr.rel @p0 .LBB3_19-.Ltmp17, $1  }
0x15a: {  	_ =	sdelay $0x3  }
0x15b: {  	p0 =	slt.s32 s2, $0x1  }
.Ltmp18:
0x15c: {  	_ = 	snop;
	(pc) =	sbr.rel @p0 .LBB3_17-.Ltmp18, $1  }
0x15d: {  	_ =	sdelay $0x3  }
0x15e: {  	s0 =	simm.s32 $0xC0;
	p0 =	por $0x0, $0x0  }
0x15f: {  	v1 =	vld.msk @!p0 [tilespmem:s0+$0x0], $0x1;
	_ =	sdelay $0x4  }
0x160: {  	(v2sf) =	vpush @!p0 v1, $0x0;
	_ =	sdelay $0xd  }
0x161: {  	p2 =	sne.s32 s2, $0x1  }
.Ltmp19:
0x162: {  	s6 =	spop @!p0 (v2sf);
	(pc) =	sbr.rel @!p2 .LBB3_16-.Ltmp19, $4  }
0x163: {  	p1 =	seq.s32 @!p0 s5, s6  }
0x164: {  	s6 =	simm.s32 $0x0;
	p1 =	por !p1, p0  }
0x165: {  	s8 =	simm.s32 $0xFFFFFFFF;
	s6 =	simm.s32 @p1 $0xFFFFFFFF  }
0x166: {  	s7 =	simm.s32 $0x1;
	s6 =	smov.u32 @p0 s8  }
.LBB3_15:
0x167: {  	s8 =	smov.u32 s6;
	p0 =	sne.s32 s6, $0xFFFFFFFF  }
0x168: {  	s0 =	sadd.s32 $0x1, s0;
	s6 =	smov.u32 s7;
	s7 =	sadd.s32 $0x1, s7  }
0x169: {  	p1 =	sne.s32 s2, s7;
	v1 =	vld.msk @!p0 [tilespmem:s0+$0x0], $0x1;
	_ =	sdelay $0x4  }
0x16a: {  	(v2sf) =	vpush @!p0 v1, $0x0;
	_ =	sdelay $0xe  }
.Ltmp20:
0x16b: {  	s9 =	spop @!p0 (v2sf);
	(pc) =	sbr.rel @p1 .LBB3_15-.Ltmp20, $4  }
0x16c: {  	p2 =	seq.s32 @!p0 s5, s9  }
0x16d: {  	p2 =	por !p2, p0  }
0x16e: {  	s6 =	simm.s32 @p2 $0xFFFFFFFF  }
0x16f: {  	s6 =	smov.u32 @p0 s8  }
.LBB3_16:
0x170: {  	p0 =	sne.s32 s6, $0xFFFFFFFF  }
.Ltmp21:
0x171: {  	_ = 	snop;
	(pc) =	sbr.rel @!p0 .LBB3_17-.Ltmp21, $1  }
0x172: {  	_ =	sdelay $0x3  }
0x173: {  	v0 =	vld.msk [tilespmem:s4+$0xE0], $0x1;
	v1 =	vmov s6  }
.Ltmp22:
0x174: {  	_ = 	snop;
	(pc) =	sbr.rel .LBB3_19-.Ltmp22, $2  }
0x175: {  	_ =	sdelay $0x2  }
0x176: {  	[tilespmem:v1+s3+$0x0], v0 =	vst.idx.ret.add.f32.msk $0x1, v0  }
.LBB3_20:
0x177: {  	p0 =	slt.s32 s2, $0x1  }
.Ltmp23:
0x178: {  	_ = 	snop;
	(pc) =	sbr.rel @p0 .LBB3_24-.Ltmp23, $3  }
0x179: {  	_ =	sdelay $0x1  }
0x17a: {  	s0 =	simm.s32 $0x6  }
0x17b: {  	s3 =	simm.s32 $0x0;
	[sflag:s0] =	ssyncpa.u1 $0x1  }
0x17c: {  	s0 =	simm.s32 $0xC0  }
0x17d: {  	v0 =	vld.msk [tilespmem:s0+$0x0], $0x1;
	_ =	sdelay $0x4  }
0x17e: {  	(v2sf) =	vpush v0, $0x0;
	_ =	sdelay $0xe  }
0x17f: {  	s2 =	sadd.s32 $0xFFFFFFFF, s2;
	s4 =	spop (v2sf)  }
0x180: {  	p1 =	sne.s32 s2, $0x0;
	p0 =	sgt.u32 s4, $0xC3FF  }
.Ltmp24:
0x181: {  	s5 =	sshrl.u32 @!p0 s4, $0x3;
	(pc) =	sbr.rel @!p1 .LBB3_23-.Ltmp24, $4  }
0x182: {  	s0 =	simm.s32 $0xE0;
	s4 =	sand.u32 @!p0 $0x7, s4;
	s5 =	sadd.s32 @!p0 s1, s5  }
0x183: {  	[hbm4b:s5+s4] =	stream.linear.scatter @!p0 [tilespmem:s0], [sflag:$0x5], $0x1, $0x38;
	[tilespmem:$0x11A60] =	vst v63  }
0x184: {  	s5 =	simm.s32 $0x0  }
0x185: {  	s4 =	simm.s32 $0xC1;
	s5 =	simm.s32 @!p0 $0x4  }
.LBB3_22:
0x186: {  	v0 =	vld.msk [tilespmem:s4+$0x0], $0x1;
	s2 =	sadd.s32 $0xFFFFFFFF, s2;
	s3 =	sadd.s32 s3, s5  }
0x187: {  	p0 =	sne.s32 s2, $0x0;
	_ =	sdelay $0x3  }
0x188: {  	(v2sf) =	vpush v0, $0x0;
	_ =	sdelay $0xe  }
.Ltmp25:
0x189: {  	s6 =	spop (v2sf);
	(pc) =	sbr.rel @p0 .LBB3_22-.Ltmp25, $4  }
0x18a: {  	s5 =	simm.s32 $0x0;
	p1 =	sgt.u32 s6, $0xC3FF  }
0x18b: {  	s0 =	sadd.s32 $0x1, s0;
	s5 =	simm.s32 @!p1 $0x4;
	s7 =	sshrl.u32 @!p1 s6, $0x3  }
0x18c: {  	s4 =	sadd.s32 $0x1, s4;
	s6 =	sand.u32 @!p1 $0x7, s6;
	s7 =	sadd.s32 @!p1 s1, s7  }
0x18d: {  	[hbm4b:s7+s6] =	stream.linear.scatter @!p1 [tilespmem:s0], [sflag:$0x5], $0x1, $0x38;
	[tilespmem:$0x11A60] =	vst v63  }
.LBB3_23:
0x18e: {  	s0 =	sadd.s32 s3, s5  }
0x18f: {  	s3 =	sshrl.u32 s0, $0x2  }
.LBB3_24:
0x190: {  	s0 =	simm.s32 $0x5  }
0x191: {  	_ =	swait.ge [sflag:s0], s3  }
0x192: {  	s1 =	ssub.s32 $0x0, s3;
	[sflag:s0] =	ssyncset.done $0x0  }
0x193: {  	[sflag:s0] =	ssyncadd.s32 s1  }
0x194: {  	[sflag:s0] =	ssyncpa.u1 $0x1  }
0x195: {  	s29 =	simm.s32 $0x1;
	_ =	sfence  }
0x196: {  	s30 =	simm.s32 $0x2;
	[sflag:s29] =	ssyncpa.u1 $0x1  }
0x197: {  	[sflag:s30] =	ssyncpa.u1 $0x1  }
0x198: {  	_ =	strace $0x90000056  }
0x199: {  	[bflag:$0x2] =	sbarrier.arrive $0xFFFF  }
0x19a: {  	s31 =	rddreg [dreg:$0x1]  }
0x19b: {  	s0 =	sadd.s32 $0x100000, s31  }
0x19c: {  	[sflag:s0] =	ssyncadd.tile.s32 $0x1;
	_ =	shalt  }
.Lfunc_end3:
_tile_overlayer_lowered:
.L_overlay_start_3:
0x19d: {  	(tag) =	ssettag $0x3  }
0x19e: {  	s0 =	rddreg [dreg:$0x0];
	s2 =	stileid.u32  }
0x19f: {  	s1 =	rddreg [dreg:$0x1];
	p0 =	sne.s32 s2, $0x0  }
0x1a0: {  	s3 =	rddreg [dreg:$0x2];
	[bflag:$0x3] =	sbarrier.arrive $0xFFFF;
	s2 =	simm.s32 @!p0 $0x1C01  }
0x1a1: {  	[timem:s3], [sflag:s2] =	dma.local @!p0 [hbm:s0], s1  }
0x1a2: {  	s0 =	simm.s32 @!p0 $0x1  }
0x1a3: {  	_ =	swait.ge @!p0 [sflag:s0], s1  }
0x1a4: {  	s1 =	ssub.s32 @!p0 $0x0, s1;
	[sflag:s0] =	ssyncset.done @!p0 $0x0  }
0x1a5: {  	[sflag:s0] =	ssyncadd.s32 @!p0 s1  }
0x1a6: {  	[bflag:$0x3] =	sbarrier.arrive $0xFFFF  }
0x1a7: {  	_ =	shalt  }

// kernel: scatter_offload_async_start.2
scs
__scs_entry_jumppad:
0x0: {  	(pc) =	sbr.rel $0x88, $3  }
0x1: {  	(tag) =	ssettag $0x0;
	lr =	simm.s32 $0x1  }
0x2: {  	[smem:$0x3F9A] =	sst lr;
	_ =	strace $0xD0000000  }
0x3: {  	_ = 	snop  }
0x4: {  	_ = 	snop  }
0x5: {  	_ = 	snop  }
0x6: {  	_ = 	snop  }
0x7: {  	_ = 	snop  }
__scs_overlays_trampoline_lowered:
0x8: {  	[smem:$0x3FA9] =	sst s0  }
0x9: {  	[smem:$0x3FAA] =	sst s1  }
0xa: {  	[smem:$0x3FAB] =	sst s2  }
0xb: {  	[smem:$0x3FAC] =	sst s3  }
0xc: {  	[smem:$0x3FAD] =	sst s4  }
0xd: {  	[smem:$0x3FAE] =	sst s5  }
0xe: {  	[smem:$0x3FAF] =	sst s6  }
0xf: {  	[smem:$0x3FB0] =	sst s7  }
0x10: {  	[smem:$0x3FB1] =	sst s8  }
0x11: {  	[smem:$0x3FB2] =	sst s9;
	s0 =	simm.s32 @!p0 $0x0  }
0x12: {  	s1 =	sld [smem:$0x3F98];
	s0 =	simm.s32 @p0 $0x1  }
0x13: {  	[smem:$0x3FB3] =	sst s0;
	s0 =	simm.s32 @!p1 $0x0  }
0x14: {  	s2 =	sld [smem:$0x3F97];
	s0 =	simm.s32 @p1 $0x1  }
0x15: {  	[smem:$0x3FB4] =	sst s0;
	s0 =	simm.s32 @!p2 $0x0  }
0x16: {  	s3 =	sld [smem:$0x3FDB];
	s0 =	simm.s32 @p2 $0x1  }
0x17: {  	s4 =	simm.s32 $0x1BF5;
	[smem:$0x3FB6] =	sst s0  }
0x18: {  	s0 =	sld [smem:$0x3F99];
	_ =	swait.ge [sflag:s4], $0x0  }
0x19: {  	s7 =	sld [smem:$0x3F9A]  }
0x1a: {  	s8 =	sadd.s32 $0xFFFFE003, lr  }
0x1b: {  	s9 =	sadd.s32 $0xFFFFFEF7, lr;
	s5 =	simm.s32 $0xFFFFFFFF;
	p2 =	slt.u32 s8, $0xFFFFF086  }
0x1c: {  	p1 =	slt.u32 s9, $0xF7A;
	s5 =	simm.s32 @!p2 $0x0  }
0x1d: {  	s5 =	simm.s32 @p1 $0x1;
	p0 =	seq.s32 s7, s2  }
0x1e: {  	s7 =	smul.u32 @!p0 $0xF7A, s2;
	p2 =	seq.s32 @!p0 s5, $0x0  }
0x1f: {  	s9 =	smul.u32 $0xF7A, s1;
	s8 =	simm.s32 @!p0 $0x1BF5;
	p2 =	por !p2, p0  }
0x20: {  	[sflag:s8] =	ssyncset.s32 @!p0 $0xFFFFF086;
	s6 =	sadd.s32 @!p0 s3, s7;
	s7 =	simm.s32 @!p0 $0x108  }
0x21: {  	s3 =	sadd.s32 s3, s9;
	s6 =	sadd.s32 @!p0 $0x88, s6;
	s7 =	simm.s32 @p2 $0x1082  }
0x22: {  	[simem:s7], [sflag:s8] =	dma.local @!p0 [hbm:s6], $0xF7A  }
0x23: {  	s9 =	sor.u32 $0xD0000000, s2;
	s6 =	simm.s32 $0x108;
	_ =	swait.ge @!p0 [sflag:s8], $0x0  }
0x24: {  	s3 =	sadd.s32 $0x88, s3;
	s6 =	simm.s32 @!p1 $0x1082;
	[sflag:s4] =	ssyncset.s32 $0xFFFFF086  }
0x25: {  	[simem:s6], [sflag:s4] =	dma.local [hbm:s3], $0xF7A  }
0x26: {  	[smem:$0x3F9A] =	sst s1;
	(tag) =	ssettag s2;
	_ =	strace s9  }
0x27: {  	s1 =	sld [smem:$0x3FAA]  }
0x28: {  	s2 =	sld [smem:$0x3FAB]  }
0x29: {  	s4 =	sld [smem:$0x3FAD]  }
0x2a: {  	p0 =	seq.s32 s5, $0x0;
	s5 =	sld [smem:$0x3FAE]  }
0x2b: {  	s6 =	sld [smem:$0x3FAF]  }
0x2c: {  	s7 =	sld [smem:$0x3FB0]  }
0x2d: {  	s3 =	simm.s32 $0x108;
	s8 =	sld [smem:$0x3FB1]  }
0x2e: {  	s3 =	simm.s32 @!p0 $0x1082;
	s9 =	sld [smem:$0x3FB2]  }
0x2f: {  	lr =	sadd.s32 s0, s3;
	s0 =	sld [smem:$0x3FA9]  }
0x30: {  	s3 =	sld [smem:$0x3FAC]  }
0x31: {  	[smem:$0x3FB5] =	sst s10  }
0x32: {  	s10 =	sld [smem:$0x3FB3];
	_ =	sdelay $0x3  }
0x33: {  	p0 =	seq.s32 s10, $0x1;
	s10 =	sld [smem:$0x3FB5];
	_ =	sdelay $0x3  }
0x34: {  	[smem:$0x3FB5] =	sst s10  }
0x35: {  	s10 =	sld [smem:$0x3FB4];
	_ =	sdelay $0x3  }
0x36: {  	p1 =	seq.s32 s10, $0x1;
	s10 =	sld [smem:$0x3FB5];
	_ =	sdelay $0x3  }
0x37: {  	[smem:$0x3FB5] =	sst s10  }
0x38: {  	s10 =	sld [smem:$0x3FB6]  }
0x39: {  	_ = 	snop;
	(pc) =	sbr.ind lr, $3  }
0x3a: {  	_ = 	snop  }
0x3b: {  	_ = 	snop  }
0x3c: {  	p2 =	seq.s32 s10, $0x1;
	s10 =	sld [smem:$0x3FB5]  }
0x3d: {  	_ =	shalt  }
0x3e: {  	_ =	shalt  }
0x3f: {  	_ =	shalt  }
0x40: {  	_ =	shalt  }
0x41: {  	_ =	shalt  }
0x42: {  	_ =	shalt  }
0x43: {  	_ =	shalt  }
0x44: {  	_ =	shalt  }
0x45: {  	_ =	shalt  }
0x46: {  	_ =	shalt  }
0x47: {  	_ =	shalt  }
0x48: {  	_ =	shalt  }
0x49: {  	_ =	shalt  }
0x4a: {  	_ =	shalt  }
0x4b: {  	_ =	shalt  }
0x4c: {  	_ =	shalt  }
0x4d: {  	_ =	shalt  }
0x4e: {  	_ =	shalt  }
0x4f: {  	_ =	shalt  }
0x50: {  	_ =	shalt  }
0x51: {  	_ =	shalt  }
0x52: {  	_ =	shalt  }
0x53: {  	_ =	shalt  }
0x54: {  	_ =	shalt  }
0x55: {  	_ =	shalt  }
0x56: {  	_ =	shalt  }
0x57: {  	_ =	shalt  }
0x58: {  	_ =	shalt  }
0x59: {  	_ =	shalt  }
0x5a: {  	_ =	shalt  }
0x5b: {  	_ =	shalt  }
0x5c: {  	_ =	shalt  }
0x5d: {  	_ =	shalt  }
0x5e: {  	_ =	shalt  }
0x5f: {  	_ =	shalt  }
0x60: {  	_ =	shalt  }
0x61: {  	_ =	shalt  }
0x62: {  	_ =	shalt  }
0x63: {  	_ =	shalt  }
0x64: {  	_ =	shalt  }
0x65: {  	_ =	shalt  }
0x66: {  	_ =	shalt  }
0x67: {  	_ =	shalt  }
0x68: {  	_ =	shalt  }
0x69: {  	_ =	shalt  }
0x6a: {  	_ =	shalt  }
0x6b: {  	_ =	shalt  }
0x6c: {  	_ =	shalt  }
0x6d: {  	_ =	shalt  }
0x6e: {  	_ =	shalt  }
0x6f: {  	_ =	shalt  }
0x70: {  	_ =	shalt  }
0x71: {  	_ =	shalt  }
0x72: {  	_ =	shalt  }
0x73: {  	_ =	shalt  }
0x74: {  	_ =	shalt  }
0x75: {  	_ =	shalt  }
0x76: {  	_ =	shalt  }
0x77: {  	_ =	shalt  }
0x78: {  	_ =	shalt  }
0x79: {  	_ =	shalt  }
0x7a: {  	_ =	shalt  }
0x7b: {  	_ =	shalt  }
0x7c: {  	_ =	shalt  }
0x7d: {  	_ =	shalt  }
0x7e: {  	_ =	shalt  }
0x7f: {  	_ =	shalt  }
0x80: {  	_ =	shalt  }
0x81: {  	_ =	shalt  }
0x82: {  	_ =	shalt  }
0x83: {  	_ =	shalt  }
0x84: {  	_ =	shalt  }
0x85: {  	_ =	shalt  }
0x86: {  	_ =	shalt  }
0x87: {  	_ =	shalt  }
.Lfunc_end0:
.L_simem_size_0:
called_computation.2_lowered:
.L_overlay_start_0:
0x88: {  	s0 =	sld [smem:$0x3FD9]  }
0x89: {  	s1 =	sld [smem:$0x3FFE];
	_ =	sdelay $0x3  }
0x8a: {  	s0 =	sadd.s32 s1, s0  }
0x8b: {  	[smem:$0x3FC1] =	sst s0  }
0x8c: {  	_ = 	snop  }
0x8d: {  	(tm) =	ssettm $0x1  }
0x8e: {  	s15 =	sld [smem:$0x3FFB];
	_ =	sdelay $0x3  }
0x8f: {  	_ =	strace s15  }
0x90: {  	s0 =	sld [smem:$0x3FFC];
	_ =	sdelay $0x3  }
0x91: {  	_ =	strace s0  }
0x92: {  	s0 =	sld [smem:$0x3FFD];
	_ =	sdelay $0x3  }
0x93: {  	_ =	strace s0  }
0x94: {  	_ =	strace $0x8FFFFFFF  }
0x95: {  	s16 =	sld [smem:$0x3FDB];
	_ =	sdelay $0x1  }
0x96: {  	s17 =	simm.s32 $_scs_section_size  }
0x97: {  	s2 =	simm.s32 $_size__tile_overlayer_lowered;
	s3 =	simm.s32 $_tile_overlayer_lowered  }
0x98: {  	s20 =	simm.s32 $0x1BFF;
	s19 =	sshll.u32 s3, $0x1;
	s0 =	sadd.s32 s17, s16  }
0x99: {  	s4 =	simm.s32 $0x0;
	s18 =	sshll.u32 s2, $0x1;
	s2 =	sadd.s32 s19, s0  }
0x9a: {  	[timem:s4], [sflag:s20] =	dma.local [hbm:s2], s18  }
0x9b: {  	_ =	swait.ge [sflag:s20], s18  }
0x9c: {  	s1 =	ssub.s32 $0x0, s18;
	[sflag:s20] =	ssyncset.done $0x0  }
0x9d: {  	[sflag:s20] =	ssyncadd.s32 s1;
	_ =	sdelay $0x1  }
0x9e: {  	s21 =	simm.s32 $0x1B8B  }
0x9f: {  	_ =	swait.ge [sflag:s21], $0x1  }
0xa0: {  	[sflag:s21] =	ssyncset.done $0x0  }
0xa1: {  	s23 =	simm.s32 $0x1B8E;
	s22 =	sld [smem:$0x3FFE];
	[sflag:s21] =	ssyncadd.s32 $0xFFFFFFFF  }
0xa2: {  	s24 =	simm.s32 $execute0_lowered;
	[smem:$0x3FD2] =	sst s23  }
0xa3: {  	s2 =	sshll.u32 s24, $0x1;
	_ =	strace $0x8000004F;
	[dreg:$0x1] =	wrdreg $0xFFFFFFFF  }
0xa4: {  	s25 =	simm.s32 $_size_execute0_lowered;
	s0 =	sadd.s32 s0, s2;
	[dreg:$0x0] =	wrdreg $0x0  }
0xa5: {  	s2 =	sshll.u32 s25, $0x1;
	[dreg:$0x2] =	wrdreg s0  }
0xa6: {  	[dreg:$0x3] =	wrdreg s2  }
0xa7: {  	[dreg:$0x4] =	wrdreg $0xC0  }
0xa8: {  	_ =	task [dreg:s4], $0x5FFFF  }
0xa9: {  	[dreg:$0x1] =	wrdreg $0xFFFFFFFF  }
0xaa: {  	[dreg:$0x0] =	wrdreg $0x60  }
0xab: {  	[dreg:$0x2] =	wrdreg s22  }
0xac: {  	[dreg:$0x3] =	wrdreg $0xB  }
0xad: {  	_ =	task.clear_ibuf [dreg:s4], $0x4FFFF;
	_ =	strace $0x9000004F  }
0xae: {  	s26 =	simm.s32 $0xB;
	_ =	strace $0x80000051  }
0xaf: {  	_ =	swait.ge [sflag:s26], $0x1  }
0xb0: {  	[sflag:s26] =	ssyncadd.s32 $0xFFFFFFFF  }
0xb1: {  	_ =	strace $0x90000051  }
0xb2: {  	_ =	sfence  }
0xb3: {  	s28 =	sld [smem:$0x0];
	_ =	sdelay $0x1  }
0xb4: {  	s29 =	srdreg.scid  }
0xb5: {  	s30 =	sshll.u32 s29, $0xD;
	s31 =	sshrl.u32 s29, $0x2  }
0xb6: {  	s1 =	sand.u32 $0x1, s29;
	s2 =	sand.u32 $0x4000, s30;
	s0 =	sadd.s32 s31, s28  }
0xb7: {  	s1 =	sor.u32 s2, s1;
	s0 =	sshll.u32 s0, $0x11  }
0xb8: {  	s0 =	sor.u32 s0, s1  }
0xb9: {  	s0 =	sadd.s32 $0x8F2B, s0  }
0xba: {  	[sflag:s0] =	ssyncadd.remote.s32 $0x1  }
0xbb: {  	_ =	sfence.sel $0xFFFF  }
0xbc: {  	[dreg:$0x0] =	wrdreg $0xFFFFFFFF;
	(pc) =	sbr.abs _section_cstart, $3  }
0xbd: {  	[dreg:$0x1] =	wrdreg $0xFFFFFFFF  }
0xbe: {  	_ =	task.clear_ibuf [dreg:s4], $0x2FFFF;
	_ =	strace $0x9FFFFFFF  }
0xbf: {  	(tm) =	ssettm $0x7FFFFFFF  }
tec
execute0_lowered:
.L_overlay_start_1:
0x0: {  	(tag) =	ssettag $0x1  }
0x1: {  	s7 =	rddreg [dreg:$0x0]  }
0x2: {  	s0 =	rddreg [dreg:$0x1];
	_ =	strace $0x80000050  }
0x3: {  	s3 =	stileid.u32;
	s4 =	simm.s32 $0x3E;
	s1 =	sadd.s32 $0xF8A00, s7  }
0x4: {  	p0 =	sne.s32 s3, $0x0;
	[sflag:s4] =	ssyncpa.u1 $0x0;
	s29 =	smul.u32 $0xC, s3  }
0x5: {  	s30 =	smin.u32 s3, $0x8;
	s2 =	simm.s32 @!p0 $0x1C3E;
	s5 =	simm.s32 @!p0 $0x0  }
0x6: {  	[spmem:s5], [sflag:s2] =	dma.local @!p0 [hbm:s1], $0x19600  }
0x7: {  	s2 =	sadd.s32 s30, s29  }
0x8: {  	p1 =	slt.u32 s3, $0x8;
	s3 =	simm.s32 $0x19640;
	s2 =	smul.u32 $0x1F40, s2  }
0x9: {  	s3 =	simm.s32 @!p1 $0x17700  }
0xa: {  	s3 =	sadd.s32 s3, s2  }
0xb: {  	s3 =	smin.u32 s3, $0x186A00  }
0xc: {  	s8 =	ssub.s32 s3, s2  }
0xd: {  	p1 =	sgt.s32 s8, $0x0  }
0xe: {  	s8 =	simm.s32 @!p1 $0x0  }
0xf: {  	s5 =	simm.s32 @!p0 $0x3E;
	s31 =	smulhi.u32 $0x10624DD3, s8  }
0x10: {  	_ =	swait.ge @!p0 [sflag:s5], $0x19600  }
0x11: {  	s6 =	simm.s32 $0x2;
	[sflag:s5] =	ssyncset.done @!p0 $0x0;
	s9 =	sshrl.u32 s31, $0x9  }
0x12: {  	s11 =	simm.s32 $0x0;
	[sflag:s5] =	ssyncadd.s32 @!p0 $0xFFFE6A00;
	s10 =	smul.u32 $0x1F40, s9  }
.Ltmp0:
0x13: {  	s5 =	sadd.s32 $0x12AA00, s7;
	[bflag:$0x0] =	sbarrier.arrive $0xFFFF;
	(pc) =	sbr.rel .LBB2_1-.Ltmp0, $4  }
0x14: {  	s7 =	sadd.s32 $0x63A00, s7;
	[sflag:s4] =	ssyncpa.u1 $0x1;
	s4 =	simm.s32 $0x1  }
0x15: {  	[sflag:s4] =	ssyncpa.u1 $0x0;
	p1 =	sne.s32 s8, s10;
	s8 =	simm.s32 $0x1  }
0x16: {  	(ifvalue) =	ssetifvalue $0xCB000;
	[sflag:s6] =	ssyncpa.u1 $0x0;
	s8 =	simm.s32 @!p1 $0x0  }
0x17: {  	vm0 =	vmmov $0xffff;
	s10 =	smov.u32 s2;
	s8 =	sadd.s32 s8, s9;
	s9 =	simm.s32 $0x0  }
.LBB2_5:
0x18: {  	p2 =	sne.s32 s11, s8  }
.Ltmp1:
0x19: {  	_ = 	snop;
	(pc) =	sbr.rel @!p2 .LBB2_6-.Ltmp1, $4  }
0x1a: {  	_ = 	snop  }
0x1b: {  	s12 =	sadd.s32 $0x1F40, s10  }
0x1c: {  	s10 =	smov.u32 s2;
	s13 =	sadd.s32 $0x1, s11;
	p1 =	slt.s32 s12, s3  }
0x1d: {  	s11 =	smov.u32 s13;
	s10 =	smov.u32 @p1 s12  }
.LBB2_1:
0x1e: {  	p1 =	sge.u32 s11, s8  }
0x1f: {  	s12 =	sxor.u32 @!p1 $0xFFFFFFFF, s11  }
0x20: {  	s12 =	sand.u32 @!p1 $0x1, s12  }
0x21: {  	s12 =	smul.u32 @!p1 $0x1F40, s12  }
0x22: {  	s13 =	sshrl.u32 @!p1 s10, $0x3  }
0x23: {  	s16 =	sand.u32 @!p1 $0x7, s10;
	s14 =	sadd.s32 @!p1 s5, s13;
	s15 =	sadd.s32 @!p1 $0xCB00, s12  }
0x24: {  	[tilespmem:s15], [sflag:$0x2] =	stream.linear.gather @!p1 [hbm4b:s14+s16], $0x1F40, $0x38;
	[tilespmem:$0x14800] =	vst v63  }
0x25: {  	s13 =	sadd.s32 @!p1 s7, s13;
	s12 =	sadd.s32 @!p1 $0x10980, s12  }
0x26: {  	[tilespmem:s12], [sflag:$0x2] =	stream.linear.gather @!p1 [hbm4b:s13+s16], $0x1F40, $0x38;
	[tilespmem:$0x14800] =	vst v63  }
0x27: {  	p1 =	seq.s32 s11, $0x0  }
.Ltmp2:
0x28: {  	_ = 	snop;
	(pc) =	sbr.rel @p1 .LBB2_5-.Ltmp2, $1  }
0x29: {  	_ =	sdelay $0x3  }
0x2a: {  	s12 =	sand.u32 $0x1, s11  }
0x2b: {  	_ =	swait.ge [sflag:s6], $0x3E80;
	p1 =	seq.s32 s12, $0x1;
	s12 =	simm.s32 $0x1F40  }
0x2c: {  	[sflag:s6] =	ssyncset.done $0x0;
	s12 =	simm.s32 @!p1 $0x0  }
0x2d: {  	[sflag:s6] =	ssyncadd.s32 $0xFFFFC180;
	s14 =	sadd.s32 $0xCB00, s12  }
0x2e: {  	v0 =	vld.msk [tilespmem:s14+$0x0 ss:$0x1], $0xffff;
	_ =	sdelay $0x4  }
0x2f: {  	v0 =	vmin.u32 v0, $0xCB000;
	_ =	sdelay $0x3  }
0x30: {  	s13 =	simm.s32 $0x0;
	s12 =	sadd.s32 $0x10980, s12;
	s14 =	sadd.s32 $0x10, s14  }
0x31: {  	[spmem:s9] =	stream.indirect_vreg.scatter.add.s32 [tilespmem:s12], [sflag:$0x1], $0x1, v0, vm0, $0x4038;
	[tilespmem:$0x14800] =	vst v63  }
.LBB2_3:
0x32: {  	v0 =	vld.msk [tilespmem:s14+$0x0 ss:$0x1], $0xffff;
	s13 =	sadd.s32 $0x10, s13  }
0x33: {  	p1 =	slt.u32 s13, $0x1F30;
	_ =	sdelay $0x4  }
0x34: {  	v0 =	vmin.u32 v0, $0xCB000  }
.Ltmp3:
0x35: {  	(pc) =	sbr.rel @p1 .LBB2_3-.Ltmp3, $3  }
0x36: {  	_ =	sdelay $0x1  }
0x37: {  	s14 =	sadd.s32 $0x10, s14;
	s12 =	sadd.s32 $0x10, s12  }
0x38: {  	[spmem:s9] =	stream.indirect_vreg.scatter.add.s32 [tilespmem:s12], [sflag:$0x1], $0x1, v0, vm0, $0x4038;
	[tilespmem:$0x14800] =	vst v63  }
.Ltmp4:
0x39: {  	(pc) =	sbr.rel .LBB2_5-.Ltmp4, $4  }
0x3a: {  	_ = 	snop  }
0x3b: {  	_ =	swait.ge [sflag:s4], $0x1F40  }
0x3c: {  	[sflag:s4] =	ssyncset.done $0x0  }
0x3d: {  	[sflag:s4] =	ssyncadd.s32 $0xFFFFE0C0  }
.LBB2_6:
0x3e: {  	_ =	sfence.sel $0x180000  }
0x3f: {  	s2 =	simm.s32 $0x2;
	[bflag:$0x0] =	sbarrier.arrive $0xFFFF  }
0x40: {  	s30 =	simm.s32 $0x1;
	[sflag:s2] =	ssyncpa.u1 $0x1  }
0x41: {  	[sflag:s30] =	ssyncpa.u1 $0x1  }
0x42: {  	_ =	sfence.stream.spmem  }
0x43: {  	s31 =	simm.s32 $0x3D;
	[bflag:$0x0] =	sbarrier.arrive $0xFFFF  }
0x44: {  	s2 =	simm.s32 @p0 $0x3D;
	[sflag:s31] =	ssyncpa.u1 $0x0  }
0x45: {  	[sflag:s2] =	ssyncpa.u1 @p0 $0x1  }
0x46: {  	[bflag:$0x0] =	sbarrier.arrive @p0 $0xFFFF  }
0x47: {  	_ =	strace @p0 $0x90000050  }
0x48: {  	s3 =	simm.s32 @!p0 $0x1C3D;
	s2 =	simm.s32 @!p0 $0x0;
	[bflag:$0x2] =	sbarrier.arrive @p0 $0xFFFF  }
0x49: {  	[hbm:s1], [sflag:s3] =	dma.local @!p0 [spmem:s2], $0x19600  }
0x4a: {  	s1 =	simm.s32 @!p0 $0x3D  }
0x4b: {  	_ =	swait.ge @!p0 [sflag:s1], $0x19600  }
0x4c: {  	[sflag:s1] =	ssyncset.done @!p0 $0x0  }
0x4d: {  	[sflag:s1] =	ssyncadd.s32 @!p0 $0xFFFE6A00  }
0x4e: {  	[sflag:s1] =	ssyncpa.u1 @!p0 $0x1  }
0x4f: {  	[bflag:$0x0] =	sbarrier.arrive @!p0 $0xFFFF  }
0x50: {  	_ =	strace @!p0 $0x90000050  }
0x51: {  	s0 =	sadd.s32 @!p0 $0x100000, s0;
	[bflag:$0x2] =	sbarrier.arrive @!p0 $0xFFFF  }
0x52: {  	[sflag:s0] =	ssyncadd.tile.s32 @!p0 $0x1;
	_ =	shalt  }
.Lfunc_end2:
_tile_overlayer_lowered:
.L_overlay_start_2:
0x53: {  	(tag) =	ssettag $0x2  }
0x54: {  	s0 =	rddreg [dreg:$0x0];
	s2 =	stileid.u32  }
0x55: {  	s1 =	rddreg [dreg:$0x1];
	p0 =	sne.s32 s2, $0x0  }
0x56: {  	s3 =	rddreg [dreg:$0x2];
	[bflag:$0x3] =	sbarrier.arrive $0xFFFF;
	s2 =	simm.s32 @!p0 $0x1C01  }
0x57: {  	[timem:s3], [sflag:s2] =	dma.local @!p0 [hbm:s0], s1  }
0x58: {  	s0 =	simm.s32 @!p0 $0x1  }
0x59: {  	_ =	swait.ge @!p0 [sflag:s0], s1  }
0x5a: {  	s1 =	ssub.s32 @!p0 $0x0, s1;
	[sflag:s0] =	ssyncset.done @!p0 $0x0  }
0x5b: {  	[sflag:s0] =	ssyncadd.s32 @!p0 s1  }
0x5c: {  	[bflag:$0x3] =	sbarrier.arrive $0xFFFF  }
0x5d: {  	_ =	shalt  }

// kernel: scatter_offload_async_start
scs
__scs_entry_jumppad:
0x0: {  	(pc) =	sbr.rel $0x88, $3  }
0x1: {  	(tag) =	ssettag $0x0;
	lr =	simm.s32 $0x1  }
0x2: {  	[smem:$0x3F9A] =	sst lr;
	_ =	strace $0xD0000000  }
0x3: {  	_ = 	snop  }
0x4: {  	_ = 	snop  }
0x5: {  	_ = 	snop  }
0x6: {  	_ = 	snop  }
0x7: {  	_ = 	snop  }
__scs_overlays_trampoline_lowered:
0x8: {  	[smem:$0x3FA9] =	sst s0  }
0x9: {  	[smem:$0x3FAA] =	sst s1  }
0xa: {  	[smem:$0x3FAB] =	sst s2  }
0xb: {  	[smem:$0x3FAC] =	sst s3  }
0xc: {  	[smem:$0x3FAD] =	sst s4  }
0xd: {  	[smem:$0x3FAE] =	sst s5  }
0xe: {  	[smem:$0x3FAF] =	sst s6  }
0xf: {  	[smem:$0x3FB0] =	sst s7  }
0x10: {  	[smem:$0x3FB1] =	sst s8  }
0x11: {  	[smem:$0x3FB2] =	sst s9;
	s0 =	simm.s32 @!p0 $0x0  }
0x12: {  	s1 =	sld [smem:$0x3F98];
	s0 =	simm.s32 @p0 $0x1  }
0x13: {  	[smem:$0x3FB3] =	sst s0;
	s0 =	simm.s32 @!p1 $0x0  }
0x14: {  	s2 =	sld [smem:$0x3F97];
	s0 =	simm.s32 @p1 $0x1  }
0x15: {  	[smem:$0x3FB4] =	sst s0;
	s0 =	simm.s32 @!p2 $0x0  }
0x16: {  	s3 =	sld [smem:$0x3FDB];
	s0 =	simm.s32 @p2 $0x1  }
0x17: {  	s4 =	simm.s32 $0x1BF5;
	[smem:$0x3FB6] =	sst s0  }
0x18: {  	s0 =	sld [smem:$0x3F99];
	_ =	swait.ge [sflag:s4], $0x0  }
0x19: {  	s7 =	sld [smem:$0x3F9A]  }
0x1a: {  	s8 =	sadd.s32 $0xFFFFE003, lr  }
0x1b: {  	s9 =	sadd.s32 $0xFFFFFEF7, lr;
	s5 =	simm.s32 $0xFFFFFFFF;
	p2 =	slt.u32 s8, $0xFFFFF086  }
0x1c: {  	p1 =	slt.u32 s9, $0xF7A;
	s5 =	simm.s32 @!p2 $0x0  }
0x1d: {  	s5 =	simm.s32 @p1 $0x1;
	p0 =	seq.s32 s7, s2  }
0x1e: {  	s7 =	smul.u32 @!p0 $0xF7A, s2;
	p2 =	seq.s32 @!p0 s5, $0x0  }
0x1f: {  	s9 =	smul.u32 $0xF7A, s1;
	s8 =	simm.s32 @!p0 $0x1BF5;
	p2 =	por !p2, p0  }
0x20: {  	[sflag:s8] =	ssyncset.s32 @!p0 $0xFFFFF086;
	s6 =	sadd.s32 @!p0 s3, s7;
	s7 =	simm.s32 @!p0 $0x108  }
0x21: {  	s3 =	sadd.s32 s3, s9;
	s6 =	sadd.s32 @!p0 $0x88, s6;
	s7 =	simm.s32 @p2 $0x1082  }
0x22: {  	[simem:s7], [sflag:s8] =	dma.local @!p0 [hbm:s6], $0xF7A  }
0x23: {  	s9 =	sor.u32 $0xD0000000, s2;
	s6 =	simm.s32 $0x108;
	_ =	swait.ge @!p0 [sflag:s8], $0x0  }
0x24: {  	s3 =	sadd.s32 $0x88, s3;
	s6 =	simm.s32 @!p1 $0x1082;
	[sflag:s4] =	ssyncset.s32 $0xFFFFF086  }
0x25: {  	[simem:s6], [sflag:s4] =	dma.local [hbm:s3], $0xF7A  }
0x26: {  	[smem:$0x3F9A] =	sst s1;
	(tag) =	ssettag s2;
	_ =	strace s9  }
0x27: {  	s1 =	sld [smem:$0x3FAA]  }
0x28: {  	s2 =	sld [smem:$0x3FAB]  }
0x29: {  	s4 =	sld [smem:$0x3FAD]  }
0x2a: {  	p0 =	seq.s32 s5, $0x0;
	s5 =	sld [smem:$0x3FAE]  }
0x2b: {  	s6 =	sld [smem:$0x3FAF]  }
0x2c: {  	s7 =	sld [smem:$0x3FB0]  }
0x2d: {  	s3 =	simm.s32 $0x108;
	s8 =	sld [smem:$0x3FB1]  }
0x2e: {  	s3 =	simm.s32 @!p0 $0x1082;
	s9 =	sld [smem:$0x3FB2]  }
0x2f: {  	lr =	sadd.s32 s0, s3;
	s0 =	sld [smem:$0x3FA9]  }
0x30: {  	s3 =	sld [smem:$0x3FAC]  }
0x31: {  	[smem:$0x3FB5] =	sst s10  }
0x32: {  	s10 =	sld [smem:$0x3FB3];
	_ =	sdelay $0x3  }
0x33: {  	p0 =	seq.s32 s10, $0x1;
	s10 =	sld [smem:$0x3FB5];
	_ =	sdelay $0x3  }
0x34: {  	[smem:$0x3FB5] =	sst s10  }
0x35: {  	s10 =	sld [smem:$0x3FB4];
	_ =	sdelay $0x3  }
0x36: {  	p1 =	seq.s32 s10, $0x1;
	s10 =	sld [smem:$0x3FB5];
	_ =	sdelay $0x3  }
0x37: {  	[smem:$0x3FB5] =	sst s10  }
0x38: {  	s10 =	sld [smem:$0x3FB6]  }
0x39: {  	_ = 	snop;
	(pc) =	sbr.ind lr, $3  }
0x3a: {  	_ = 	snop  }
0x3b: {  	_ = 	snop  }
0x3c: {  	p2 =	seq.s32 s10, $0x1;
	s10 =	sld [smem:$0x3FB5]  }
0x3d: {  	_ =	shalt  }
0x3e: {  	_ =	shalt  }
0x3f: {  	_ =	shalt  }
0x40: {  	_ =	shalt  }
0x41: {  	_ =	shalt  }
0x42: {  	_ =	shalt  }
0x43: {  	_ =	shalt  }
0x44: {  	_ =	shalt  }
0x45: {  	_ =	shalt  }
0x46: {  	_ =	shalt  }
0x47: {  	_ =	shalt  }
0x48: {  	_ =	shalt  }
0x49: {  	_ =	shalt  }
0x4a: {  	_ =	shalt  }
0x4b: {  	_ =	shalt  }
0x4c: {  	_ =	shalt  }
0x4d: {  	_ =	shalt  }
0x4e: {  	_ =	shalt  }
0x4f: {  	_ =	shalt  }
0x50: {  	_ =	shalt  }
0x51: {  	_ =	shalt  }
0x52: {  	_ =	shalt  }
0x53: {  	_ =	shalt  }
0x54: {  	_ =	shalt  }
0x55: {  	_ =	shalt  }
0x56: {  	_ =	shalt  }
0x57: {  	_ =	shalt  }
0x58: {  	_ =	shalt  }
0x59: {  	_ =	shalt  }
0x5a: {  	_ =	shalt  }
0x5b: {  	_ =	shalt  }
0x5c: {  	_ =	shalt  }
0x5d: {  	_ =	shalt  }
0x5e: {  	_ =	shalt  }
0x5f: {  	_ =	shalt  }
0x60: {  	_ =	shalt  }
0x61: {  	_ =	shalt  }
0x62: {  	_ =	shalt  }
0x63: {  	_ =	shalt  }
0x64: {  	_ =	shalt  }
0x65: {  	_ =	shalt  }
0x66: {  	_ =	shalt  }
0x67: {  	_ =	shalt  }
0x68: {  	_ =	shalt  }
0x69: {  	_ =	shalt  }
0x6a: {  	_ =	shalt  }
0x6b: {  	_ =	shalt  }
0x6c: {  	_ =	shalt  }
0x6d: {  	_ =	shalt  }
0x6e: {  	_ =	shalt  }
0x6f: {  	_ =	shalt  }
0x70: {  	_ =	shalt  }
0x71: {  	_ =	shalt  }
0x72: {  	_ =	shalt  }
0x73: {  	_ =	shalt  }
0x74: {  	_ =	shalt  }
0x75: {  	_ =	shalt  }
0x76: {  	_ =	shalt  }
0x77: {  	_ =	shalt  }
0x78: {  	_ =	shalt  }
0x79: {  	_ =	shalt  }
0x7a: {  	_ =	shalt  }
0x7b: {  	_ =	shalt  }
0x7c: {  	_ =	shalt  }
0x7d: {  	_ =	shalt  }
0x7e: {  	_ =	shalt  }
0x7f: {  	_ =	shalt  }
0x80: {  	_ =	shalt  }
0x81: {  	_ =	shalt  }
0x82: {  	_ =	shalt  }
0x83: {  	_ =	shalt  }
0x84: {  	_ =	shalt  }
0x85: {  	_ =	shalt  }
0x86: {  	_ =	shalt  }
0x87: {  	_ =	shalt  }
.Lfunc_end0:
.L_simem_size_0:
called_computation_lowered:
.L_overlay_start_0:
0x88: {  	s0 =	sld [smem:$0x3FD9]  }
0x89: {  	s1 =	sld [smem:$0x3FFE];
	_ =	sdelay $0x3  }
0x8a: {  	s0 =	sadd.s32 s1, s0  }
0x8b: {  	[smem:$0x3FC1] =	sst s0  }
0x8c: {  	_ = 	snop  }
0x8d: {  	s0 =	sld [smem:$0x3FC6];
	(tm) =	ssettm $0x1  }
0x8e: {  	s16 =	sld [smem:$0x3FFB];
	_ =	sdelay $0x3  }
0x8f: {  	_ =	strace s16  }
0x90: {  	s1 =	sld [smem:$0x3FFC];
	_ =	sdelay $0x3  }
0x91: {  	_ =	strace s1  }
0x92: {  	s1 =	sld [smem:$0x3FFD];
	_ =	sdelay $0x3  }
0x93: {  	_ =	strace s1  }
0x94: {  	_ =	strace $0x8FFFFFFF  }
0x95: {  	s17 =	sld [smem:$0x3FDB];
	_ =	sdelay $0x1  }
0x96: {  	s2 =	simm.s32 $_scs_section_size  }
0x97: {  	s3 =	simm.s32 $_size__tile_overlayer_lowered;
	s4 =	simm.s32 $_tile_overlayer_lowered  }
0x98: {  	s20 =	simm.s32 $0x1BFF;
	s19 =	sshll.u32 s4, $0x1;
	s1 =	sadd.s32 s2, s17  }
0x99: {  	s5 =	simm.s32 $0x0;
	s18 =	sshll.u32 s3, $0x1;
	s3 =	sadd.s32 s19, s1  }
0x9a: {  	[timem:s5], [sflag:s20] =	dma.local [hbm:s3], s18  }
0x9b: {  	_ =	swait.ge [sflag:s20], s18  }
0x9c: {  	s2 =	ssub.s32 $0x0, s18;
	[sflag:s20] =	ssyncset.done $0x0  }
0x9d: {  	[sflag:s20] =	ssyncadd.s32 s2;
	_ =	sdelay $0x1  }
0x9e: {  	s21 =	simm.s32 $0x1B8B  }
0x9f: {  	_ =	swait.ge [sflag:s21], $0x1  }
0xa0: {  	[sflag:s21] =	ssyncset.done $0x0  }
0xa1: {  	s23 =	simm.s32 $0x1B8E;
	s22 =	sld [smem:$0x3FFE];
	[sflag:s21] =	ssyncadd.s32 $0xFFFFFFFF  }
0xa2: {  	s24 =	simm.s32 $execute0_lowered;
	[smem:$0x3FD2] =	sst s23  }
0xa3: {  	s3 =	sshll.u32 s24, $0x1;
	_ =	strace $0x80000046;
	[dreg:$0x1] =	wrdreg $0xFFFFFFFF  }
0xa4: {  	s25 =	simm.s32 $_size_execute0_lowered;
	s1 =	sadd.s32 s1, s3;
	[dreg:$0x0] =	wrdreg $0x0  }
0xa5: {  	s3 =	sshll.u32 s25, $0x1;
	[dreg:$0x2] =	wrdreg s1  }
0xa6: {  	[dreg:$0x3] =	wrdreg s3  }
0xa7: {  	[dreg:$0x4] =	wrdreg $0xC0  }
0xa8: {  	_ =	task [dreg:s5], $0x5FFFF  }
0xa9: {  	[dreg:$0x1] =	wrdreg $0xFFFFFFFF  }
0xaa: {  	[dreg:$0x0] =	wrdreg $0x60  }
0xab: {  	[dreg:$0x2] =	wrdreg s22  }
0xac: {  	[dreg:$0x3] =	wrdreg s0  }
0xad: {  	[dreg:$0x4] =	wrdreg $0x9  }
0xae: {  	_ =	task.clear_ibuf [dreg:s5], $0x5FFFF;
	_ =	strace $0x90000046  }
0xaf: {  	s26 =	simm.s32 $0x9;
	_ =	strace $0x80000048  }
0xb0: {  	_ =	swait.ge [sflag:s26], $0x1  }
0xb1: {  	[sflag:s26] =	ssyncadd.s32 $0xFFFFFFFF  }
0xb2: {  	_ =	strace $0x90000048  }
0xb3: {  	_ =	sfence  }
0xb4: {  	s28 =	sld [smem:$0x0];
	_ =	sdelay $0x1  }
0xb5: {  	s29 =	srdreg.scid  }
0xb6: {  	s30 =	sshll.u32 s29, $0xD;
	s31 =	sshrl.u32 s29, $0x2  }
0xb7: {  	s2 =	sand.u32 $0x4000, s30;
	s1 =	sand.u32 $0x1, s29;
	s0 =	sadd.s32 s31, s28  }
0xb8: {  	s1 =	sor.u32 s2, s1;
	s0 =	sshll.u32 s0, $0x11  }
0xb9: {  	s0 =	sor.u32 s0, s1  }
0xba: {  	s0 =	sadd.s32 $0x8F2B, s0  }
0xbb: {  	[sflag:s0] =	ssyncadd.remote.s32 $0x1  }
0xbc: {  	_ =	sfence.sel $0xFFFF  }
0xbd: {  	[dreg:$0x0] =	wrdreg $0xFFFFFFFF;
	(pc) =	sbr.abs _section_cstart, $3  }
0xbe: {  	[dreg:$0x1] =	wrdreg $0xFFFFFFFF  }
0xbf: {  	_ =	task.clear_ibuf [dreg:s5], $0x2FFFF;
	_ =	strace $0x9FFFFFFF  }
0xc0: {  	(tm) =	ssettm $0x7FFFFFFF  }
0xc1: {  	_ =	shalt  }
tec
execute0_lowered:
.L_overlay_start_1:
0x0: {  	(tag) =	ssettag $0x1  }
0x1: {  	s7 =	rddreg [dreg:$0x0]  }
0x2: {  	s2 =	rddreg [dreg:$0x1]  }
0x3: {  	s0 =	rddreg [dreg:$0x2];
	_ =	strace $0x80000047  }
0x4: {  	s4 =	stileid.u32;
	s5 =	simm.s32 $0x3E;
	s1 =	sadd.s32 $0xF6800, s7  }
0x5: {  	p0 =	sne.s32 s4, $0x0;
	[sflag:s5] =	ssyncpa.u1 $0x0;
	s29 =	smul.u32 $0xC, s4  }
0x6: {  	s30 =	smin.u32 s4, $0x8;
	s3 =	simm.s32 @!p0 $0x1C3E;
	s6 =	simm.s32 @!p0 $0x0  }
0x7: {  	[spmem:s6], [sflag:s3] =	dma.local @!p0 [hbm:s1], $0x1880  }
0x8: {  	s3 =	sadd.s32 s30, s29  }
0x9: {  	p1 =	slt.u32 s4, $0x8;
	s4 =	simm.s32 $0x19640;
	s3 =	smul.u32 $0x1F40, s3  }
0xa: {  	s4 =	simm.s32 @!p1 $0x17700  }
0xb: {  	s4 =	sadd.s32 s4, s3  }
0xc: {  	s4 =	smin.u32 s4, $0x186A00  }
0xd: {  	s8 =	ssub.s32 s4, s3  }
0xe: {  	p1 =	sgt.s32 s8, $0x0  }
0xf: {  	s8 =	simm.s32 @!p1 $0x0  }
0x10: {  	s6 =	simm.s32 @!p0 $0x3E;
	s31 =	smulhi.u32 $0x10624DD3, s8  }
0x11: {  	_ =	swait.ge @!p0 [sflag:s6], $0x1880  }
0x12: {  	[sflag:s6] =	ssyncset.done @!p0 $0x0;
	s9 =	sshrl.u32 s31, $0x9  }
0x13: {  	s11 =	simm.s32 $0x0;
	[sflag:s6] =	ssyncadd.s32 @!p0 $0xFFFFE780;
	s10 =	smul.u32 $0x1F40, s9  }
.Ltmp0:
0x14: {  	s7 =	sadd.s32 $0xF8200, s7;
	[bflag:$0x0] =	sbarrier.arrive $0xFFFF;
	(pc) =	sbr.rel .LBB2_1-.Ltmp0, $4  }
0x15: {  	s6 =	simm.s32 $0x2;
	[sflag:s5] =	ssyncpa.u1 $0x1;
	s5 =	simm.s32 $0x1  }
0x16: {  	[sflag:s5] =	ssyncpa.u1 $0x0;
	p1 =	sne.s32 s8, s10;
	s8 =	simm.s32 $0x1  }
0x17: {  	(ifvalue) =	ssetifvalue $0xC400;
	[sflag:s6] =	ssyncpa.u1 $0x0;
	s8 =	simm.s32 @!p1 $0x0  }
0x18: {  	vm0 =	vmmov $0xffff;
	s10 =	smov.u32 s3;
	s8 =	sadd.s32 s8, s9;
	s9 =	simm.s32 $0x0  }
.LBB2_5:
0x19: {  	p2 =	sne.s32 s11, s8  }
.Ltmp1:
0x1a: {  	_ = 	snop;
	(pc) =	sbr.rel @!p2 .LBB2_6-.Ltmp1, $4  }
0x1b: {  	_ = 	snop  }
0x1c: {  	s12 =	sadd.s32 $0x1F40, s10  }
0x1d: {  	s10 =	smov.u32 s3;
	s13 =	sadd.s32 $0x1, s11;
	p1 =	slt.s32 s12, s4  }
0x1e: {  	s11 =	smov.u32 s13;
	s10 =	smov.u32 @p1 s12  }
.LBB2_1:
0x1f: {  	p1 =	sge.u32 s11, s8  }
0x20: {  	s12 =	sxor.u32 @!p1 $0xFFFFFFFF, s11  }
0x21: {  	s12 =	sand.u32 @!p1 $0x1, s12  }
0x22: {  	s12 =	smul.u32 @!p1 $0x1F40, s12  }
0x23: {  	s13 =	sshrl.u32 @!p1 s10, $0x3  }
0x24: {  	s16 =	sand.u32 @!p1 $0x7, s10;
	s14 =	sadd.s32 @!p1 s2, s13;
	s15 =	sadd.s32 @!p1 $0xC40, s12  }
0x25: {  	[tilespmem:s15], [sflag:$0x2] =	stream.linear.gather @!p1 [hbm4b:s14+s16], $0x1F40, $0x38;
	[tilespmem:$0x8940] =	vst v63  }
0x26: {  	s13 =	sadd.s32 @!p1 s7, s13;
	s12 =	sadd.s32 @!p1 $0x4AC0, s12  }
0x27: {  	[tilespmem:s12], [sflag:$0x2] =	stream.linear.gather @!p1 [hbm4b:s13+s16], $0x1F40, $0x38;
	[tilespmem:$0x8940] =	vst v63  }
0x28: {  	p1 =	seq.s32 s11, $0x0  }
.Ltmp2:
0x29: {  	_ = 	snop;
	(pc) =	sbr.rel @p1 .LBB2_5-.Ltmp2, $1  }
0x2a: {  	_ =	sdelay $0x3  }
0x2b: {  	s12 =	sand.u32 $0x1, s11  }
0x2c: {  	_ =	swait.ge [sflag:s6], $0x3E80;
	p1 =	seq.s32 s12, $0x1;
	s12 =	simm.s32 $0x1F40  }
0x2d: {  	[sflag:s6] =	ssyncset.done $0x0;
	s12 =	simm.s32 @!p1 $0x0  }
0x2e: {  	[sflag:s6] =	ssyncadd.s32 $0xFFFFC180;
	s14 =	sadd.s32 $0xC40, s12  }
0x2f: {  	v0 =	vld.msk [tilespmem:s14+$0x0 ss:$0x1], $0xffff;
	_ =	sdelay $0x4  }
0x30: {  	v0 =	vmin.u32 v0, $0xC400;
	_ =	sdelay $0x3  }
0x31: {  	s13 =	simm.s32 $0x0;
	s12 =	sadd.s32 $0x4AC0, s12;
	s14 =	sadd.s32 $0x10, s14  }
0x32: {  	[spmem:s9] =	stream.indirect_vreg.scatter.add.s32 [tilespmem:s12], [sflag:$0x1], $0x1, v0, vm0, $0x4038;
	[tilespmem:$0x8940] =	vst v63  }
.LBB2_3:
0x33: {  	v0 =	vld.msk [tilespmem:s14+$0x0 ss:$0x1], $0xffff;
	s13 =	sadd.s32 $0x10, s13  }
0x34: {  	p1 =	slt.u32 s13, $0x1F30;
	_ =	sdelay $0x4  }
0x35: {  	v0 =	vmin.u32 v0, $0xC400  }
.Ltmp3:
0x36: {  	(pc) =	sbr.rel @p1 .LBB2_3-.Ltmp3, $3  }
0x37: {  	_ =	sdelay $0x1  }
0x38: {  	s14 =	sadd.s32 $0x10, s14;
	s12 =	sadd.s32 $0x10, s12  }
0x39: {  	[spmem:s9] =	stream.indirect_vreg.scatter.add.s32 [tilespmem:s12], [sflag:$0x1], $0x1, v0, vm0, $0x4038;
	[tilespmem:$0x8940] =	vst v63  }
.Ltmp4:
0x3a: {  	(pc) =	sbr.rel .LBB2_5-.Ltmp4, $4  }
0x3b: {  	_ = 	snop  }
0x3c: {  	_ =	swait.ge [sflag:s5], $0x1F40  }
0x3d: {  	[sflag:s5] =	ssyncset.done $0x0  }
0x3e: {  	[sflag:s5] =	ssyncadd.s32 $0xFFFFE0C0  }
.LBB2_6:
0x3f: {  	_ =	sfence.sel $0x180000  }
0x40: {  	s2 =	simm.s32 $0x2;
	[bflag:$0x0] =	sbarrier.arrive $0xFFFF  }
0x41: {  	s30 =	simm.s32 $0x1;
	[sflag:s2] =	ssyncpa.u1 $0x1  }
0x42: {  	[sflag:s30] =	ssyncpa.u1 $0x1  }
0x43: {  	_ =	sfence.stream.spmem  }
0x44: {  	s31 =	simm.s32 $0x3D;
	[bflag:$0x0] =	sbarrier.arrive $0xFFFF  }
0x45: {  	s2 =	simm.s32 @p0 $0x3D;
	[sflag:s31] =	ssyncpa.u1 $0x0  }
0x46: {  	[sflag:s2] =	ssyncpa.u1 @p0 $0x1  }
0x47: {  	[bflag:$0x0] =	sbarrier.arrive @p0 $0xFFFF  }
0x48: {  	_ =	strace @p0 $0x90000047  }
0x49: {  	s3 =	simm.s32 @!p0 $0x1C3D;
	s2 =	simm.s32 @!p0 $0x0;
	[bflag:$0x2] =	sbarrier.arrive @p0 $0xFFFF  }
0x4a: {  	[hbm:s1], [sflag:s3] =	dma.local @!p0 [spmem:s2], $0x1880  }
0x4b: {  	s1 =	simm.s32 @!p0 $0x3D  }
0x4c: {  	_ =	swait.ge @!p0 [sflag:s1], $0x1880  }
0x4d: {  	[sflag:s1] =	ssyncset.done @!p0 $0x0  }
0x4e: {  	[sflag:s1] =	ssyncadd.s32 @!p0 $0xFFFFE780  }
0x4f: {  	[sflag:s1] =	ssyncpa.u1 @!p0 $0x1  }
0x50: {  	[bflag:$0x0] =	sbarrier.arrive @!p0 $0xFFFF  }
0x51: {  	_ =	strace @!p0 $0x90000047  }
0x52: {  	s0 =	sadd.s32 @!p0 $0x100000, s0;
	[bflag:$0x2] =	sbarrier.arrive @!p0 $0xFFFF  }
0x53: {  	[sflag:s0] =	ssyncadd.tile.s32 @!p0 $0x1;
	_ =	shalt  }
.Lfunc_end2:
_tile_overlayer_lowered:
.L_overlay_start_2:
0x54: {  	(tag) =	ssettag $0x2  }
0x55: {  	s0 =	rddreg [dreg:$0x0];
	s2 =	stileid.u32  }
0x56: {  	s1 =	rddreg [dreg:$0x1];
	p0 =	sne.s32 s2, $0x0  }
0x57: {  	s3 =	rddreg [dreg:$0x2];
	[bflag:$0x3] =	sbarrier.arrive $0xFFFF;
	s2 =	simm.s32 @!p0 $0x1C01  }
0x58: {  	[timem:s3], [sflag:s2] =	dma.local @!p0 [hbm:s0], s1  }
0x59: {  	s0 =	simm.s32 @!p0 $0x1  }
0x5a: {  	_ =	swait.ge @!p0 [sflag:s0], s1  }
0x5b: {  	s1 =	ssub.s32 @!p0 $0x0, s1;
	[sflag:s0] =	ssyncset.done @!p0 $0x0  }
0x5c: {  	[sflag:s0] =	ssyncadd.s32 @!p0 s1  }
0x5d: {  	[bflag:$0x3] =	sbarrier.arrive $0xFFFF  }
0x5e: {  	_ =	shalt  }

</sc_bundles>
